<compile_context>
chip_gen: v7x
topology: tpu7x:2x2x1
jax: 0.10.2.dev20260603
libtpu: 0.0.44.dev20260713+nightly
codegen_flags: <defaults>
</compile_context>

<pallas_src>
import jax
import jax.numpy as jnp
from jax import lax
from jax.experimental import pallas as pl
from jax.experimental.pallas import tpu as pltpu
from jax.experimental.pallas import tpu_sc as plsc

_NBINS = 15
_C = 96
_H = 512
_W = 512
_R = 64
_PIX = _H * _W
_NW = 32
_PW = _PIX // _NW


def _tc_body(bv_ref, probs_ref, lab_ref, conf_ref, acc_ref, bin_ref):
    x = probs_ref[...]
    conf = jnp.max(x, axis=0)
    pred = jnp.argmax(x, axis=0).astype(jnp.int32)
    acc = (pred == lab_ref[...]).astype(jnp.float32)
    b = jnp.zeros((_R, _W), jnp.int32)
    for i in range(_NBINS):
        b = b + (conf > bv_ref[i]).astype(jnp.int32)
    conf_ref[...] = conf
    acc_ref[...] = acc
    bin_ref[...] = b


def _make_tc_call(block_off, rows):
    return pl.pallas_call(
        _tc_body,
        grid=(rows // _R,),
        in_specs=[
            pl.BlockSpec(memory_space=pltpu.SMEM),
            pl.BlockSpec((_C, _R, _W), lambda i: (0, i + block_off, 0)),
            pl.BlockSpec((_R, _W), lambda i: (i, 0)),
        ],
        out_specs=[
            pl.BlockSpec((_R, _W), lambda i: (i, 0)),
            pl.BlockSpec((_R, _W), lambda i: (i, 0)),
            pl.BlockSpec((_R, _W), lambda i: (i, 0)),
        ],
        out_shape=[
            jax.ShapeDtypeStruct((rows, _W), jnp.float32),
            jax.ShapeDtypeStruct((rows, _W), jnp.float32),
            jax.ShapeDtypeStruct((rows, _W), jnp.int32),
        ],
    )


_UNROLL = 4


def _make_sc_body(pw):
    def _sc_body(bin_hbm, conf_hbm, acc_hbm, out_hbm, bin_v, conf_v, acc_v,
                 hist_v, red_v, sem):
        wid = lax.axis_index("s") * 2 + lax.axis_index("c")
        base = wid * pw
        cp_b = pltpu.async_copy(bin_hbm.at[pl.ds(base, pw)], bin_v, sem)
        cp_c = pltpu.async_copy(conf_hbm.at[pl.ds(base, pw)], conf_v, sem)
        cp_a = pltpu.async_copy(acc_hbm.at[pl.ds(base, pw)], acc_v, sem)
        zero = jnp.zeros((16,), jnp.float32)
        for j in range(49):
            hist_v[pl.ds(16 * j, 16)] = zero
        cp_b.wait()
        cp_c.wait()
        cp_a.wait()
        ones = jnp.ones((16,), jnp.float32)
        lane49 = jnp.arange(16, dtype=jnp.int32) * 49
        k16 = jnp.full((16,), 16, jnp.int32)
        k32 = jnp.full((16,), 32, jnp.int32)

        def body(i, carry):
            for u in range(_UNROLL):
                off = i * (16 * _UNROLL) + u * 16
                b = bin_v[pl.ds(off, 16)] + lane49
                cv = conf_v[pl.ds(off, 16)]
                av = acc_v[pl.ds(off, 16)]
                plsc.addupdate_scatter(hist_v, [b], ones)
                plsc.addupdate_scatter(hist_v, [b + k16], cv)
                plsc.addupdate_scatter(hist_v, [b + k32], av)
            return carry

        lax.fori_loop(0, pw // (16 * _UNROLL), body, 0)
        iota16 = jnp.arange(16, dtype=jnp.int32)
        for g in range(3):
            s = plsc.load_gather(hist_v, [iota16 + 16 * g])
            for l in range(1, 16):
                s = s + plsc.load_gather(hist_v, [iota16 + (49 * l + 16 * g)])
            red_v[pl.ds(16 * g, 16)] = s
        pltpu.sync_copy(red_v, out_hbm.at[wid])

    return _sc_body


def _make_sc_hist(npix):
    pw = npix // _NW
    return pl.kernel(
        _make_sc_body(pw),
        mesh=plsc.VectorSubcoreMesh(core_axis_name="c", subcore_axis_name="s"),
        compiler_params=pltpu.CompilerParams(needs_layout_passes=False),
        out_type=jax.ShapeDtypeStruct((_NW, 48), jnp.float32),
        scratch_types=[
            pltpu.VMEM((pw,), jnp.int32),
            pltpu.VMEM((pw,), jnp.float32),
            pltpu.VMEM((pw,), jnp.float32),
            pltpu.VMEM((16 * 49,), jnp.float32),
            pltpu.VMEM((48,), jnp.float32),
            pltpu.SemaphoreType.DMA,
        ],
    )


def kernel(probs, labels):
    p = probs.reshape(_C, _H, _W)
    lab = labels.reshape(_H, _W)
    bvals = jnp.linspace(0.0, 1.0, _NBINS + 1)
    half = _H // 2
    nblk = half // _R
    npix = half * _W
    hists = []
    for k in range(2):
        tc = _make_tc_call(k * nblk, half)
        conf, acc, binid = tc(bvals, p, lab[k * half:(k + 1) * half])
        sc = _make_sc_hist(npix)
        hists.append(sc(binid.reshape(npix), conf.reshape(npix),
                        acc.reshape(npix)))
    h = jnp.sum(hists[0] + hists[1], axis=0)
    return h[1:16], h[17:32], h[33:48]

# --- scband reference (transcript-rebuilt; emitter-appended) ---
"""Pipeline reference for scband-ece-function-69630009803210 (READ-ONLY COPY).

The authoritative reference and input builder live on the scoring server;
editing this copy changes nothing except your own understanding.
"""

import jax, jax.numpy as jnp
import numpy as np

N_BINS = 15

def setup_inputs(seed: int = 0) -> dict:
    key = jax.random.key(seed)
    k1, k2 = jax.random.split(key)
    probs = jax.random.uniform(k1, (1, 96, 512, 512), dtype=jnp.float32)
    labels = jax.random.randint(k2, (1, 1, 512, 512), 0, 96)
    return {"probs": probs, "labels": labels}

def reference(probs, labels):
    # torch.max(probs, 1) -> (values, indices) over class dim
    confidences = jnp.max(probs, axis=1)      # [B, H, W]
    predictions = jnp.argmax(probs, axis=1)   # [B, H, W]
    conf = confidences[0].reshape(-1)         # [H*W]
    pred = predictions[0].reshape(-1)
    lab = labels[0, 0].reshape(-1)
    acc = (pred == lab).astype(jnp.float32)
    boundaries = jnp.linspace(0.0, 1.0, N_BINS + 1)
    lowers = boundaries[:-1]
    uppers = boundaries[1:]
    # in_bin[i, n] = conf[n] > lower_i and conf[n] <= upper_i (vectorized form of the per-bin loop)
    in_bin = (conf[None, :] > lowers[:, None]) & (conf[None, :] <= uppers[:, None])
    in_bin_f = in_bin.astype(jnp.float32)
    count = in_bin_f.sum(axis=1)
    conf_sum = (in_bin_f * conf[None, :]).sum(axis=1)
    acc_sum = (in_bin_f * acc[None, :]).sum(axis=1)
    return (count, conf_sum, acc_sum)

if __name__ == "__main__":
    import jax
    _d = setup_inputs()
    print(jax.jit(kernel)(*tuple(_d.values())))

</pallas_src>

<mosaic_0001>
#map = affine_map<(d0, d1) -> (0)>
#map1 = affine_map<(d0, d1) -> (0, 0)>
module attributes {stable_mosaic.version = 14 : i64} {
  func.func @_sc_body(%arg0: i32, %arg1: i32, %arg2: memref<131072xi32, #tpu.memory_space<hbm>>, %arg3: memref<131072xf32, #tpu.memory_space<hbm>>, %arg4: memref<131072xf32, #tpu.memory_space<hbm>>, %arg5: memref<32x48xf32, #tpu.memory_space<hbm>>, %arg6: memref<4096xi32, #tpu.memory_space<vmem>>, %arg7: memref<4096xf32, #tpu.memory_space<vmem>>, %arg8: memref<4096xf32, #tpu.memory_space<vmem>>, %arg9: memref<784xf32, #tpu.memory_space<vmem>>, %arg10: memref<48xf32, #tpu.memory_space<vmem>>, %arg11: memref<!tpu.dma_semaphore, #tpu.memory_space<semaphore_mem>>) attributes {dimension_semantics = [#tpu.dimension_semantics<core_parallel>, #tpu.dimension_semantics<subcore_parallel>], iteration_bounds = array<i64: 2, 16>, scalar_prefetch = 0 : i64, scratch_operands = 6 : i64, tpu.core_type = #tpu.core_type<sc_vector_subcore>, window_params = [{transform_indices = #map}, {transform_indices = #map}, {transform_indices = #map}, {transform_indices = #map1}]} {
    %mul3A = arith.constant 2 : i32
    %mul3A_0 = arith.muli %arg1, %mul3A : i32
    %add3A = arith.addi %mul3A_0, %arg0 : i32
    %mul3A_1 = arith.constant 4096 : i32
    %mul3A_2 = arith.muli %add3A, %mul3A_1 : i32
    %dma_start3A = tpu.memref_slice %arg2[%mul3A_2] : memref<131072xi32, #tpu.memory_space<hbm>> -> memref<4096xi32, #tpu.memory_space<hbm>>
    %dma_start3A_3 = tpu.memref_slice %arg2[%mul3A_2] : memref<131072xi32, #tpu.memory_space<hbm>> -> memref<4096xi32, #tpu.memory_space<hbm>>
    tpu.enqueue_dma source(%dma_start3A_3 : memref<4096xi32, #tpu.memory_space<hbm>>) target(%arg6 : memref<4096xi32, #tpu.memory_space<vmem>>) target_semaphore(%arg11 : memref<!tpu.dma_semaphore, #tpu.memory_space<semaphore_mem>>)
    %dma_start3A_4 = tpu.memref_slice %arg3[%mul3A_2] : memref<131072xf32, #tpu.memory_space<hbm>> -> memref<4096xf32, #tpu.memory_space<hbm>>
    %dma_start3A_5 = tpu.memref_slice %arg3[%mul3A_2] : memref<131072xf32, #tpu.memory_space<hbm>> -> memref<4096xf32, #tpu.memory_space<hbm>>
    tpu.enqueue_dma source(%dma_start3A_5 : memref<4096xf32, #tpu.memory_space<hbm>>) target(%arg7 : memref<4096xf32, #tpu.memory_space<vmem>>) target_semaphore(%arg11 : memref<!tpu.dma_semaphore, #tpu.memory_space<semaphore_mem>>)
    %dma_start3A_6 = tpu.memref_slice %arg4[%mul3A_2] : memref<131072xf32, #tpu.memory_space<hbm>> -> memref<4096xf32, #tpu.memory_space<hbm>>
    %dma_start3A_7 = tpu.memref_slice %arg4[%mul3A_2] : memref<131072xf32, #tpu.memory_space<hbm>> -> memref<4096xf32, #tpu.memory_space<hbm>>
    tpu.enqueue_dma source(%dma_start3A_7 : memref<4096xf32, #tpu.memory_space<hbm>>) target(%arg8 : memref<4096xf32, #tpu.memory_space<vmem>>) target_semaphore(%arg11 : memref<!tpu.dma_semaphore, #tpu.memory_space<semaphore_mem>>)
    %broadcast_in_dim3A = arith.constant 0.000000e+00 : f32
    %broadcast_in_dim3A_8 = vector.broadcast %broadcast_in_dim3A : f32 to vector<16xf32>
    %swap3A = arith.constant 0 : index
    %swap3A_9 = tpu.vector_load %arg9[%swap3A] {strides = array<i32>} : memref<784xf32, #tpu.memory_space<vmem>>, vector<16xf32>,
    tpu.vector_store %arg9[%swap3A], %broadcast_in_dim3A_8 {strides = array<i32>} : memref<784xf32, #tpu.memory_space<vmem>>, vector<16xf32>,
    %swap3A_10 = arith.constant 16 : index
    %swap3A_11 = tpu.vector_load %arg9[%swap3A_10] {strides = array<i32>} : memref<784xf32, #tpu.memory_space<vmem>>, vector<16xf32>,
    tpu.vector_store %arg9[%swap3A_10], %broadcast_in_dim3A_8 {strides = array<i32>} : memref<784xf32, #tpu.memory_space<vmem>>, vector<16xf32>,
    %swap3A_12 = arith.constant 32 : index
    %swap3A_13 = tpu.vector_load %arg9[%swap3A_12] {strides = array<i32>} : memref<784xf32, #tpu.memory_space<vmem>>, vector<16xf32>,
    tpu.vector_store %arg9[%swap3A_12], %broadcast_in_dim3A_8 {strides = array<i32>} : memref<784xf32, #tpu.memory_space<vmem>>, vector<16xf32>,
    %swap3A_14 = arith.constant 48 : index
    %swap3A_15 = tpu.vector_load %arg9[%swap3A_14] {strides = array<i32>} : memref<784xf32, #tpu.memory_space<vmem>>, vector<16xf32>,
    tpu.vector_store %arg9[%swap3A_14], %broadcast_in_dim3A_8 {strides = array<i32>} : memref<784xf32, #tpu.memory_space<vmem>>, vector<16xf32>,
    %swap3A_16 = arith.constant 64 : index
    %swap3A_17 = tpu.vector_load %arg9[%swap3A_16] {strides = array<i32>} : memref<784xf32, #tpu.memory_space<vmem>>, vector<16xf32>,
    tpu.vector_store %arg9[%swap3A_16], %broadcast_in_dim3A_8 {strides = array<i32>} : memref<784xf32, #tpu.memory_space<vmem>>, vector<16xf32>,
    %swap3A_18 = arith.constant 80 : index
    %swap3A_19 = tpu.vector_load %arg9[%swap3A_18] {strides = array<i32>} : memref<784xf32, #tpu.memory_space<vmem>>, vector<16xf32>,
    tpu.vector_store %arg9[%swap3A_18], %broadcast_in_dim3A_8 {strides = array<i32>} : memref<784xf32, #tpu.memory_space<vmem>>, vector<16xf32>,
    %swap3A_20 = arith.constant 96 : index
    %swap3A_21 = tpu.vector_load %arg9[%swap3A_20] {strides = array<i32>} : memref<784xf32, #tpu.memory_space<vmem>>, vector<16xf32>,
    tpu.vector_store %arg9[%swap3A_20], %broadcast_in_dim3A_8 {strides = array<i32>} : memref<784xf32, #tpu.memory_space<vmem>>, vector<16xf32>,
    %swap3A_22 = arith.constant 112 : index
    %swap3A_23 = tpu.vector_load %arg9[%swap3A_22] {strides = array<i32>} : memref<784xf32, #tpu.memory_space<vmem>>, vector<16xf32>,
    tpu.vector_store %arg9[%swap3A_22], %broadcast_in_dim3A_8 {strides = array<i32>} : memref<784xf32, #tpu.memory_space<vmem>>, vector<16xf32>,
    %swap3A_24 = arith.constant 128 : index
    %swap3A_25 = tpu.vector_load %arg9[%swap3A_24] {strides = array<i32>} : memref<784xf32, #tpu.memory_space<vmem>>, vector<16xf32>,
    tpu.vector_store %arg9[%swap3A_24], %broadcast_in_dim3A_8 {strides = array<i32>} : memref<784xf32, #tpu.memory_space<vmem>>, vector<16xf32>,
    %swap3A_26 = arith.constant 144 : index
    %swap3A_27 = tpu.vector_load %arg9[%swap3A_26] {strides = array<i32>} : memref<784xf32, #tpu.memory_space<vmem>>, vector<16xf32>,
    tpu.vector_store %arg9[%swap3A_26], %broadcast_in_dim3A_8 {strides = array<i32>} : memref<784xf32, #tpu.memory_space<vmem>>, vector<16xf32>,
    %swap3A_28 = arith.constant 160 : index
    %swap3A_29 = tpu.vector_load %arg9[%swap3A_28] {strides = array<i32>} : memref<784xf32, #tpu.memory_space<vmem>>, vector<16xf32>,
    tpu.vector_store %arg9[%swap3A_28], %broadcast_in_dim3A_8 {strides = array<i32>} : memref<784xf32, #tpu.memory_space<vmem>>, vector<16xf32>,
    %swap3A_30 = arith.constant 176 : index
    %swap3A_31 = tpu.vector_load %arg9[%swap3A_30] {strides = array<i32>} : memref<784xf32, #tpu.memory_space<vmem>>, vector<16xf32>,
    tpu.vector_store %arg9[%swap3A_30], %broadcast_in_dim3A_8 {strides = array<i32>} : memref<784xf32, #tpu.memory_space<vmem>>, vector<16xf32>,
    %swap3A_32 = arith.constant 192 : index
    %swap3A_33 = tpu.vector_load %arg9[%swap3A_32] {strides = array<i32>} : memref<784xf32, #tpu.memory_space<vmem>>, vector<16xf32>,
    tpu.vector_store %arg9[%swap3A_32], %broadcast_in_dim3A_8 {strides = array<i32>} : memref<784xf32, #tpu.memory_space<vmem>>, vector<16xf32>,
    %swap3A_34 = arith.constant 208 : index
    %swap3A_35 = tpu.vector_load %arg9[%swap3A_34] {strides = array<i32>} : memref<784xf32, #tpu.memory_space<vmem>>, vector<16xf32>,
    tpu.vector_store %arg9[%swap3A_34], %broadcast_in_dim3A_8 {strides = array<i32>} : memref<784xf32, #tpu.memory_space<vmem>>, vector<16xf32>,
    %swap3A_36 = arith.constant 224 : index
    %swap3A_37 = tpu.vector_load %arg9[%swap3A_36] {strides = array<i32>} : memref<784xf32, #tpu.memory_space<vmem>>, vector<16xf32>,
    tpu.vector_store %arg9[%swap3A_36], %broadcast_in_dim3A_8 {strides = array<i32>} : memref<784xf32, #tpu.memory_space<vmem>>, vector<16xf32>,
    %swap3A_38 = arith.constant 240 : index
    %swap3A_39 = tpu.vector_load %arg9[%swap3A_38] {strides = array<i32>} : memref<784xf32, #tpu.memory_space<vmem>>, vector<16xf32>,
    tpu.vector_store %arg9[%swap3A_38], %broadcast_in_dim3A_8 {strides = array<i32>} : memref<784xf32, #tpu.memory_space<vmem>>, vector<16xf32>,
    %swap3A_40 = arith.constant 256 : index
    %swap3A_41 = tpu.vector_load %arg9[%swap3A_40] {strides = array<i32>} : memref<784xf32, #tpu.memory_space<vmem>>, vector<16xf32>,
    tpu.vector_store %arg9[%swap3A_40], %broadcast_in_dim3A_8 {strides = array<i32>} : memref<784xf32, #tpu.memory_space<vmem>>, vector<16xf32>,
    %swap3A_42 = arith.constant 272 : index
    %swap3A_43 = tpu.vector_load %arg9[%swap3A_42] {strides = array<i32>} : memref<784xf32, #tpu.memory_space<vmem>>, vector<16xf32>,
    tpu.vector_store %arg9[%swap3A_42], %broadcast_in_dim3A_8 {strides = array<i32>} : memref<784xf32, #tpu.memory_space<vmem>>, vector<16xf32>,
    %swap3A_44 = arith.constant 288 : index
    %swap3A_45 = tpu.vector_load %arg9[%swap3A_44] {strides = array<i32>} : memref<784xf32, #tpu.memory_space<vmem>>, vector<16xf32>,
    tpu.vector_store %arg9[%swap3A_44], %broadcast_in_dim3A_8 {strides = array<i32>} : memref<784xf32, #tpu.memory_space<vmem>>, vector<16xf32>,
    %swap3A_46 = arith.constant 304 : index
    %swap3A_47 = tpu.vector_load %arg9[%swap3A_46] {strides = array<i32>} : memref<784xf32, #tpu.memory_space<vmem>>, vector<16xf32>,
    tpu.vector_store %arg9[%swap3A_46], %broadcast_in_dim3A_8 {strides = array<i32>} : memref<784xf32, #tpu.memory_space<vmem>>, vector<16xf32>,
    %swap3A_48 = arith.constant 320 : index
    %swap3A_49 = tpu.vector_load %arg9[%swap3A_48] {strides = array<i32>} : memref<784xf32, #tpu.memory_space<vmem>>, vector<16xf32>,
    tpu.vector_store %arg9[%swap3A_48], %broadcast_in_dim3A_8 {strides = array<i32>} : memref<784xf32, #tpu.memory_space<vmem>>, vector<16xf32>,
    %swap3A_50 = arith.constant 336 : index
    %swap3A_51 = tpu.vector_load %arg9[%swap3A_50] {strides = array<i32>} : memref<784xf32, #tpu.memory_space<vmem>>, vector<16xf32>,
    tpu.vector_store %arg9[%swap3A_50], %broadcast_in_dim3A_8 {strides = array<i32>} : memref<784xf32, #tpu.memory_space<vmem>>, vector<16xf32>,
    %swap3A_52 = arith.constant 352 : index
    %swap3A_53 = tpu.vector_load %arg9[%swap3A_52] {strides = array<i32>} : memref<784xf32, #tpu.memory_space<vmem>>, vector<16xf32>,
    tpu.vector_store %arg9[%swap3A_52], %broadcast_in_dim3A_8 {strides = array<i32>} : memref<784xf32, #tpu.memory_space<vmem>>, vector<16xf32>,
    %swap3A_54 = arith.constant 368 : index
    %swap3A_55 = tpu.vector_load %arg9[%swap3A_54] {strides = array<i32>} : memref<784xf32, #tpu.memory_space<vmem>>, vector<16xf32>,
    tpu.vector_store %arg9[%swap3A_54], %broadcast_in_dim3A_8 {strides = array<i32>} : memref<784xf32, #tpu.memory_space<vmem>>, vector<16xf32>,
    %swap3A_56 = arith.constant 384 : index
    %swap3A_57 = tpu.vector_load %arg9[%swap3A_56] {strides = array<i32>} : memref<784xf32, #tpu.memory_space<vmem>>, vector<16xf32>,
    tpu.vector_store %arg9[%swap3A_56], %broadcast_in_dim3A_8 {strides = array<i32>} : memref<784xf32, #tpu.memory_space<vmem>>, vector<16xf32>,
    %swap3A_58 = arith.constant 400 : index
    %swap3A_59 = tpu.vector_load %arg9[%swap3A_58] {strides = array<i32>} : memref<784xf32, #tpu.memory_space<vmem>>, vector<16xf32>,
    tpu.vector_store %arg9[%swap3A_58], %broadcast_in_dim3A_8 {strides = array<i32>} : memref<784xf32, #tpu.memory_space<vmem>>, vector<16xf32>,
    %swap3A_60 = arith.constant 416 : index
    %swap3A_61 = tpu.vector_load %arg9[%swap3A_60] {strides = array<i32>} : memref<784xf32, #tpu.memory_space<vmem>>, vector<16xf32>,
    tpu.vector_store %arg9[%swap3A_60], %broadcast_in_dim3A_8 {strides = array<i32>} : memref<784xf32, #tpu.memory_space<vmem>>, vector<16xf32>,
    %swap3A_62 = arith.constant 432 : index
    %swap3A_63 = tpu.vector_load %arg9[%swap3A_62] {strides = array<i32>} : memref<784xf32, #tpu.memory_space<vmem>>, vector<16xf32>,
    tpu.vector_store %arg9[%swap3A_62], %broadcast_in_dim3A_8 {strides = array<i32>} : memref<784xf32, #tpu.memory_space<vmem>>, vector<16xf32>,
    %swap3A_64 = arith.constant 448 : index
    %swap3A_65 = tpu.vector_load %arg9[%swap3A_64] {strides = array<i32>} : memref<784xf32, #tpu.memory_space<vmem>>, vector<16xf32>,
    tpu.vector_store %arg9[%swap3A_64], %broadcast_in_dim3A_8 {strides = array<i32>} : memref<784xf32, #tpu.memory_space<vmem>>, vector<16xf32>,
    %swap3A_66 = arith.constant 464 : index
    %swap3A_67 = tpu.vector_load %arg9[%swap3A_66] {strides = array<i32>} : memref<784xf32, #tpu.memory_space<vmem>>, vector<16xf32>,
    tpu.vector_store %arg9[%swap3A_66], %broadcast_in_dim3A_8 {strides = array<i32>} : memref<784xf32, #tpu.memory_space<vmem>>, vector<16xf32>,
    %swap3A_68 = arith.constant 480 : index
    %swap3A_69 = tpu.vector_load %arg9[%swap3A_68] {strides = array<i32>} : memref<784xf32, #tpu.memory_space<vmem>>, vector<16xf32>,
    tpu.vector_store %arg9[%swap3A_68], %broadcast_in_dim3A_8 {strides = array<i32>} : memref<784xf32, #tpu.memory_space<vmem>>, vector<16xf32>,
    %swap3A_70 = arith.constant 496 : index
    %swap3A_71 = tpu.vector_load %arg9[%swap3A_70] {strides = array<i32>} : memref<784xf32, #tpu.memory_space<vmem>>, vector<16xf32>,
    tpu.vector_store %arg9[%swap3A_70], %broadcast_in_dim3A_8 {strides = array<i32>} : memref<784xf32, #tpu.memory_space<vmem>>, vector<16xf32>,
    %swap3A_72 = arith.constant 512 : index
    %swap3A_73 = tpu.vector_load %arg9[%swap3A_72] {strides = array<i32>} : memref<784xf32, #tpu.memory_space<vmem>>, vector<16xf32>,
    tpu.vector_store %arg9[%swap3A_72], %broadcast_in_dim3A_8 {strides = array<i32>} : memref<784xf32, #tpu.memory_space<vmem>>, vector<16xf32>,
    %swap3A_74 = arith.constant 528 : index
    %swap3A_75 = tpu.vector_load %arg9[%swap3A_74] {strides = array<i32>} : memref<784xf32, #tpu.memory_space<vmem>>, vector<16xf32>,
    tpu.vector_store %arg9[%swap3A_74], %broadcast_in_dim3A_8 {strides = array<i32>} : memref<784xf32, #tpu.memory_space<vmem>>, vector<16xf32>,
    %swap3A_76 = arith.constant 544 : index
    %swap3A_77 = tpu.vector_load %arg9[%swap3A_76] {strides = array<i32>} : memref<784xf32, #tpu.memory_space<vmem>>, vector<16xf32>,
    tpu.vector_store %arg9[%swap3A_76], %broadcast_in_dim3A_8 {strides = array<i32>} : memref<784xf32, #tpu.memory_space<vmem>>, vector<16xf32>,
    %swap3A_78 = arith.constant 560 : index
    %swap3A_79 = tpu.vector_load %arg9[%swap3A_78] {strides = array<i32>} : memref<784xf32, #tpu.memory_space<vmem>>, vector<16xf32>,
    tpu.vector_store %arg9[%swap3A_78], %broadcast_in_dim3A_8 {strides = array<i32>} : memref<784xf32, #tpu.memory_space<vmem>>, vector<16xf32>,
    %swap3A_80 = arith.constant 576 : index
    %swap3A_81 = tpu.vector_load %arg9[%swap3A_80] {strides = array<i32>} : memref<784xf32, #tpu.memory_space<vmem>>, vector<16xf32>,
    tpu.vector_store %arg9[%swap3A_80], %broadcast_in_dim3A_8 {strides = array<i32>} : memref<784xf32, #tpu.memory_space<vmem>>, vector<16xf32>,
    %swap3A_82 = arith.constant 592 : index
    %swap3A_83 = tpu.vector_load %arg9[%swap3A_82] {strides = array<i32>} : memref<784xf32, #tpu.memory_space<vmem>>, vector<16xf32>,
    tpu.vector_store %arg9[%swap3A_82], %broadcast_in_dim3A_8 {strides = array<i32>} : memref<784xf32, #tpu.memory_space<vmem>>, vector<16xf32>,
    %swap3A_84 = arith.constant 608 : index
    %swap3A_85 = tpu.vector_load %arg9[%swap3A_84] {strides = array<i32>} : memref<784xf32, #tpu.memory_space<vmem>>, vector<16xf32>,
    tpu.vector_store %arg9[%swap3A_84], %broadcast_in_dim3A_8 {strides = array<i32>} : memref<784xf32, #tpu.memory_space<vmem>>, vector<16xf32>,
    %swap3A_86 = arith.constant 624 : index
    %swap3A_87 = tpu.vector_load %arg9[%swap3A_86] {strides = array<i32>} : memref<784xf32, #tpu.memory_space<vmem>>, vector<16xf32>,
    tpu.vector_store %arg9[%swap3A_86], %broadcast_in_dim3A_8 {strides = array<i32>} : memref<784xf32, #tpu.memory_space<vmem>>, vector<16xf32>,
    %swap3A_88 = arith.constant 640 : index
    %swap3A_89 = tpu.vector_load %arg9[%swap3A_88] {strides = array<i32>} : memref<784xf32, #tpu.memory_space<vmem>>, vector<16xf32>,
    tpu.vector_store %arg9[%swap3A_88], %broadcast_in_dim3A_8 {strides = array<i32>} : memref<784xf32, #tpu.memory_space<vmem>>, vector<16xf32>,
    %swap3A_90 = arith.constant 656 : index
    %swap3A_91 = tpu.vector_load %arg9[%swap3A_90] {strides = array<i32>} : memref<784xf32, #tpu.memory_space<vmem>>, vector<16xf32>,
    tpu.vector_store %arg9[%swap3A_90], %broadcast_in_dim3A_8 {strides = array<i32>} : memref<784xf32, #tpu.memory_space<vmem>>, vector<16xf32>,
    %swap3A_92 = arith.constant 672 : index
    %swap3A_93 = tpu.vector_load %arg9[%swap3A_92] {strides = array<i32>} : memref<784xf32, #tpu.memory_space<vmem>>, vector<16xf32>,
    tpu.vector_store %arg9[%swap3A_92], %broadcast_in_dim3A_8 {strides = array<i32>} : memref<784xf32, #tpu.memory_space<vmem>>, vector<16xf32>,
    %swap3A_94 = arith.constant 688 : index
    %swap3A_95 = tpu.vector_load %arg9[%swap3A_94] {strides = array<i32>} : memref<784xf32, #tpu.memory_space<vmem>>, vector<16xf32>,
    tpu.vector_store %arg9[%swap3A_94], %broadcast_in_dim3A_8 {strides = array<i32>} : memref<784xf32, #tpu.memory_space<vmem>>, vector<16xf32>,
    %swap3A_96 = arith.constant 704 : index
    %swap3A_97 = tpu.vector_load %arg9[%swap3A_96] {strides = array<i32>} : memref<784xf32, #tpu.memory_space<vmem>>, vector<16xf32>,
    tpu.vector_store %arg9[%swap3A_96], %broadcast_in_dim3A_8 {strides = array<i32>} : memref<784xf32, #tpu.memory_space<vmem>>, vector<16xf32>,
    %swap3A_98 = arith.constant 720 : index
    %swap3A_99 = tpu.vector_load %arg9[%swap3A_98] {strides = array<i32>} : memref<784xf32, #tpu.memory_space<vmem>>, vector<16xf32>,
    tpu.vector_store %arg9[%swap3A_98], %broadcast_in_dim3A_8 {strides = array<i32>} : memref<784xf32, #tpu.memory_space<vmem>>, vector<16xf32>,
    %swap3A_100 = arith.constant 736 : index
    %swap3A_101 = tpu.vector_load %arg9[%swap3A_100] {strides = array<i32>} : memref<784xf32, #tpu.memory_space<vmem>>, vector<16xf32>,
    tpu.vector_store %arg9[%swap3A_100], %broadcast_in_dim3A_8 {strides = array<i32>} : memref<784xf32, #tpu.memory_space<vmem>>, vector<16xf32>,
    %swap3A_102 = arith.constant 752 : index
    %swap3A_103 = tpu.vector_load %arg9[%swap3A_102] {strides = array<i32>} : memref<784xf32, #tpu.memory_space<vmem>>, vector<16xf32>,
    tpu.vector_store %arg9[%swap3A_102], %broadcast_in_dim3A_8 {strides = array<i32>} : memref<784xf32, #tpu.memory_space<vmem>>, vector<16xf32>,
    %swap3A_104 = arith.constant 768 : index
    %swap3A_105 = tpu.vector_load %arg9[%swap3A_104] {strides = array<i32>} : memref<784xf32, #tpu.memory_space<vmem>>, vector<16xf32>,
    tpu.vector_store %arg9[%swap3A_104], %broadcast_in_dim3A_8 {strides = array<i32>} : memref<784xf32, #tpu.memory_space<vmem>>, vector<16xf32>,
    %dma_wait3A = tpu.memref_slice %arg2[%mul3A_2] : memref<131072xi32, #tpu.memory_space<hbm>> -> memref<4096xi32, #tpu.memory_space<hbm>>
    %dma_wait3A_106 = tpu.memref_slice %arg2[%mul3A_2] : memref<131072xi32, #tpu.memory_space<hbm>> -> memref<4096xi32, #tpu.memory_space<hbm>>
    tpu.wait_dma2 semaphore(%arg11 : memref<!tpu.dma_semaphore, #tpu.memory_space<semaphore_mem>>) src(%dma_wait3A_106 : memref<4096xi32, #tpu.memory_space<hbm>>) dst(%arg6 : memref<4096xi32, #tpu.memory_space<vmem>>)
    %dma_wait3A_107 = tpu.memref_slice %arg3[%mul3A_2] : memref<131072xf32, #tpu.memory_space<hbm>> -> memref<4096xf32, #tpu.memory_space<hbm>>
    %dma_wait3A_108 = tpu.memref_slice %arg3[%mul3A_2] : memref<131072xf32, #tpu.memory_space<hbm>> -> memref<4096xf32, #tpu.memory_space<hbm>>
    tpu.wait_dma2 semaphore(%arg11 : memref<!tpu.dma_semaphore, #tpu.memory_space<semaphore_mem>>) src(%dma_wait3A_108 : memref<4096xf32, #tpu.memory_space<hbm>>) dst(%arg7 : memref<4096xf32, #tpu.memory_space<vmem>>)
    %dma_wait3A_109 = tpu.memref_slice %arg4[%mul3A_2] : memref<131072xf32, #tpu.memory_space<hbm>> -> memref<4096xf32, #tpu.memory_space<hbm>>
    %dma_wait3A_110 = tpu.memref_slice %arg4[%mul3A_2] : memref<131072xf32, #tpu.memory_space<hbm>> -> memref<4096xf32, #tpu.memory_space<hbm>>
    tpu.wait_dma2 semaphore(%arg11 : memref<!tpu.dma_semaphore, #tpu.memory_space<semaphore_mem>>) src(%dma_wait3A_110 : memref<4096xf32, #tpu.memory_space<hbm>>) dst(%arg8 : memref<4096xf32, #tpu.memory_space<vmem>>)
    %broadcast_in_dim3A_111 = arith.constant 1.000000e+00 : f32
    %broadcast_in_dim3A_112 = vector.broadcast %broadcast_in_dim3A_111 : f32 to vector<16xf32>
    %iota3A = tpu.iota {dimensions = array<i32: 0>} : vector<16xi32>
    %mul3A_113 = arith.constant 49 : i32
    %mul3A_114 = vector.broadcast %mul3A_113 : i32 to vector<16xi32>
    %mul3A_115 = arith.muli %iota3A, %mul3A_114 : vector<16xi32>
    %broadcast_in_dim3A_116 = arith.constant 16 : i32
    %broadcast_in_dim3A_117 = vector.broadcast %broadcast_in_dim3A_116 : i32 to vector<16xi32>
    %broadcast_in_dim3A_118 = arith.constant 32 : i32
    %broadcast_in_dim3A_119 = vector.broadcast %broadcast_in_dim3A_118 : i32 to vector<16xi32>
    %scan3A = arith.constant 0 : i32
    %scan3A_120 = arith.constant 0 : i32
    %scan3A_121 = arith.constant 64 : i32
    %scan3A_122 = arith.addi %scan3A_120, %scan3A_121 : i32
    %scan3A_123 = arith.constant 1 : i32
    scf.for %scan3A_368 = %scan3A_120 to %scan3A_122 step %scan3A_123  : i32 {
      %mul3A_369 = arith.constant 64 : i32
      %mul3A_370 = arith.muli %scan3A_368, %mul3A_369 : i32
      %add3A_371 = arith.constant 0 : i32
      %add3A_372 = arith.addi %mul3A_370, %add3A_371 : i32
      %get3A = arith.index_cast %add3A_372 : i32 to index
      %get3A_373 = tpu.vector_load %arg6[%get3A] {strides = array<i32>} : memref<4096xi32, #tpu.memory_space<vmem>>, vector<16xi32>,
      %add3A_374 = arith.addi %get3A_373, %mul3A_115 : vector<16xi32>
      %get3A_375 = arith.index_cast %add3A_372 : i32 to index
      %get3A_376 = tpu.vector_load %arg7[%get3A_375] {strides = array<i32>} : memref<4096xf32, #tpu.memory_space<vmem>>, vector<16xf32>,
      %get3A_377 = arith.index_cast %add3A_372 : i32 to index
      %get3A_378 = tpu.vector_load %arg8[%get3A_377] {strides = array<i32>} : memref<4096xf32, #tpu.memory_space<vmem>>, vector<16xf32>,
      tpu.vector_store_idx %arg9[%add3A_374], %broadcast_in_dim3A_112 {add = true} : memref<784xf32, #tpu.memory_space<vmem>>[vector<16xi32>], vector<16xf32>,
      %add3A_379 = arith.addi %add3A_374, %broadcast_in_dim3A_117 : vector<16xi32>
      tpu.vector_store_idx %arg9[%add3A_379], %get3A_376 {add = true} : memref<784xf32, #tpu.memory_space<vmem>>[vector<16xi32>], vector<16xf32>,
      %add3A_380 = arith.addi %add3A_374, %broadcast_in_dim3A_119 : vector<16xi32>
      tpu.vector_store_idx %arg9[%add3A_380], %get3A_378 {add = true} : memref<784xf32, #tpu.memory_space<vmem>>[vector<16xi32>], vector<16xf32>,
      %mul3A_381 = arith.constant 64 : i32
      %mul3A_382 = arith.muli %scan3A_368, %mul3A_381 : i32
      %add3A_383 = arith.constant 16 : i32
      %add3A_384 = arith.addi %mul3A_382, %add3A_383 : i32
      %get3A_385 = arith.index_cast %add3A_384 : i32 to index
      %get3A_386 = tpu.vector_load %arg6[%get3A_385] {strides = array<i32>} : memref<4096xi32, #tpu.memory_space<vmem>>, vector<16xi32>,
      %add3A_387 = arith.addi %get3A_386, %mul3A_115 : vector<16xi32>
      %get3A_388 = arith.index_cast %add3A_384 : i32 to index
      %get3A_389 = tpu.vector_load %arg7[%get3A_388] {strides = array<i32>} : memref<4096xf32, #tpu.memory_space<vmem>>, vector<16xf32>,
      %get3A_390 = arith.index_cast %add3A_384 : i32 to index
      %get3A_391 = tpu.vector_load %arg8[%get3A_390] {strides = array<i32>} : memref<4096xf32, #tpu.memory_space<vmem>>, vector<16xf32>,
      tpu.vector_store_idx %arg9[%add3A_387], %broadcast_in_dim3A_112 {add = true} : memref<784xf32, #tpu.memory_space<vmem>>[vector<16xi32>], vector<16xf32>,
      %add3A_392 = arith.addi %add3A_387, %broadcast_in_dim3A_117 : vector<16xi32>
      tpu.vector_store_idx %arg9[%add3A_392], %get3A_389 {add = true} : memref<784xf32, #tpu.memory_space<vmem>>[vector<16xi32>], vector<16xf32>,
      %add3A_393 = arith.addi %add3A_387, %broadcast_in_dim3A_119 : vector<16xi32>
      tpu.vector_store_idx %arg9[%add3A_393], %get3A_391 {add = true} : memref<784xf32, #tpu.memory_space<vmem>>[vector<16xi32>], vector<16xf32>,
      %mul3A_394 = arith.constant 64 : i32
      %mul3A_395 = arith.muli %scan3A_368, %mul3A_394 : i32
      %add3A_396 = arith.constant 32 : i32
      %add3A_397 = arith.addi %mul3A_395, %add3A_396 : i32
      %get3A_398 = arith.index_cast %add3A_397 : i32 to index
      %get3A_399 = tpu.vector_load %arg6[%get3A_398] {strides = array<i32>} : memref<4096xi32, #tpu.memory_space<vmem>>, vector<16xi32>,
      %add3A_400 = arith.addi %get3A_399, %mul3A_115 : vector<16xi32>
      %get3A_401 = arith.index_cast %add3A_397 : i32 to index
      %get3A_402 = tpu.vector_load %arg7[%get3A_401] {strides = array<i32>} : memref<4096xf32, #tpu.memory_space<vmem>>, vector<16xf32>,
      %get3A_403 = arith.index_cast %add3A_397 : i32 to index
      %get3A_404 = tpu.vector_load %arg8[%get3A_403] {strides = array<i32>} : memref<4096xf32, #tpu.memory_space<vmem>>, vector<16xf32>,
      tpu.vector_store_idx %arg9[%add3A_400], %broadcast_in_dim3A_112 {add = true} : memref<784xf32, #tpu.memory_space<vmem>>[vector<16xi32>], vector<16xf32>,
      %add3A_405 = arith.addi %add3A_400, %broadcast_in_dim3A_117 : vector<16xi32>
      tpu.vector_store_idx %arg9[%add3A_405], %get3A_402 {add = true} : memref<784xf32, #tpu.memory_space<vmem>>[vector<16xi32>], vector<16xf32>,
      %add3A_406 = arith.addi %add3A_400, %broadcast_in_dim3A_119 : vector<16xi32>
      tpu.vector_store_idx %arg9[%add3A_406], %get3A_404 {add = true} : memref<784xf32, #tpu.memory_space<vmem>>[vector<16xi32>], vector<16xf32>,
      %mul3A_407 = arith.constant 64 : i32
      %mul3A_408 = arith.muli %scan3A_368, %mul3A_407 : i32
      %add3A_409 = arith.constant 48 : i32
      %add3A_410 = arith.addi %mul3A_408, %add3A_409 : i32
      %get3A_411 = arith.index_cast %add3A_410 : i32 to index
      %get3A_412 = tpu.vector_load %arg6[%get3A_411] {strides = array<i32>} : memref<4096xi32, #tpu.memory_space<vmem>>, vector<16xi32>,
      %add3A_413 = arith.addi %get3A_412, %mul3A_115 : vector<16xi32>
      %get3A_414 = arith.index_cast %add3A_410 : i32 to index
      %get3A_415 = tpu.vector_load %arg7[%get3A_414] {strides = array<i32>} : memref<4096xf32, #tpu.memory_space<vmem>>, vector<16xf32>,
      %get3A_416 = arith.index_cast %add3A_410 : i32 to index
      %get3A_417 = tpu.vector_load %arg8[%get3A_416] {strides = array<i32>} : memref<4096xf32, #tpu.memory_space<vmem>>, vector<16xf32>,
      tpu.vector_store_idx %arg9[%add3A_413], %broadcast_in_dim3A_112 {add = true} : memref<784xf32, #tpu.memory_space<vmem>>[vector<16xi32>], vector<16xf32>,
      %add3A_418 = arith.addi %add3A_413, %broadcast_in_dim3A_117 : vector<16xi32>
      tpu.vector_store_idx %arg9[%add3A_418], %get3A_415 {add = true} : memref<784xf32, #tpu.memory_space<vmem>>[vector<16xi32>], vector<16xf32>,
      %add3A_419 = arith.addi %add3A_413, %broadcast_in_dim3A_119 : vector<16xi32>
      tpu.vector_store_idx %arg9[%add3A_419], %get3A_417 {add = true} : memref<784xf32, #tpu.memory_space<vmem>>[vector<16xi32>], vector<16xf32>,
    }
    %scan3A_124 = arith.constant 64 : i32
    %iota3A_125 = tpu.iota {dimensions = array<i32: 0>} : vector<16xi32>
    %add3A_126 = arith.constant 0 : i32
    %add3A_127 = vector.broadcast %add3A_126 : i32 to vector<16xi32>
    %add3A_128 = arith.addi %iota3A_125, %add3A_127 : vector<16xi32>
    %gather3A = tpu.vector_load_idx %arg9[%add3A_128] : memref<784xf32, #tpu.memory_space<vmem>>[vector<16xi32>], vector<16xf32>,
    %add3A_129 = arith.constant 49 : i32
    %add3A_130 = vector.broadcast %add3A_129 : i32 to vector<16xi32>
    %add3A_131 = arith.addi %iota3A_125, %add3A_130 : vector<16xi32>
    %gather3A_132 = tpu.vector_load_idx %arg9[%add3A_131] : memref<784xf32, #tpu.memory_space<vmem>>[vector<16xi32>], vector<16xf32>,
    %add3A_133 = arith.addf %gather3A, %gather3A_132 : vector<16xf32>
    %add3A_134 = arith.constant 98 : i32
    %add3A_135 = vector.broadcast %add3A_134 : i32 to vector<16xi32>
    %add3A_136 = arith.addi %iota3A_125, %add3A_135 : vector<16xi32>
    %gather3A_137 = tpu.vector_load_idx %arg9[%add3A_136] : memref<784xf32, #tpu.memory_space<vmem>>[vector<16xi32>], vector<16xf32>,
    %add3A_138 = arith.addf %add3A_133, %gather3A_137 : vector<16xf32>
    %add3A_139 = arith.constant 147 : i32
    %add3A_140 = vector.broadcast %add3A_139 : i32 to vector<16xi32>
    %add3A_141 = arith.addi %iota3A_125, %add3A_140 : vector<16xi32>
    %gather3A_142 = tpu.vector_load_idx %arg9[%add3A_141] : memref<784xf32, #tpu.memory_space<vmem>>[vector<16xi32>], vector<16xf32>,
    %add3A_143 = arith.addf %add3A_138, %gather3A_142 : vector<16xf32>
    %add3A_144 = arith.constant 196 : i32
    %add3A_145 = vector.broadcast %add3A_144 : i32 to vector<16xi32>
    %add3A_146 = arith.addi %iota3A_125, %add3A_145 : vector<16xi32>
    %gather3A_147 = tpu.vector_load_idx %arg9[%add3A_146] : memref<784xf32, #tpu.memory_space<vmem>>[vector<16xi32>], vector<16xf32>,
    %add3A_148 = arith.addf %add3A_143, %gather3A_147 : vector<16xf32>
    %add3A_149 = arith.constant 245 : i32
    %add3A_150 = vector.broadcast %add3A_149 : i32 to vector<16xi32>
    %add3A_151 = arith.addi %iota3A_125, %add3A_150 : vector<16xi32>
    %gather3A_152 = tpu.vector_load_idx %arg9[%add3A_151] : memref<784xf32, #tpu.memory_space<vmem>>[vector<16xi32>], vector<16xf32>,
    %add3A_153 = arith.addf %add3A_148, %gather3A_152 : vector<16xf32>
    %add3A_154 = arith.constant 294 : i32
    %add3A_155 = vector.broadcast %add3A_154 : i32 to vector<16xi32>
    %add3A_156 = arith.addi %iota3A_125, %add3A_155 : vector<16xi32>
    %gather3A_157 = tpu.vector_load_idx %arg9[%add3A_156] : memref<784xf32, #tpu.memory_space<vmem>>[vector<16xi32>], vector<16xf32>,
    %add3A_158 = arith.addf %add3A_153, %gather3A_157 : vector<16xf32>
    %add3A_159 = arith.constant 343 : i32
    %add3A_160 = vector.broadcast %add3A_159 : i32 to vector<16xi32>
    %add3A_161 = arith.addi %iota3A_125, %add3A_160 : vector<16xi32>
    %gather3A_162 = tpu.vector_load_idx %arg9[%add3A_161] : memref<784xf32, #tpu.memory_space<vmem>>[vector<16xi32>], vector<16xf32>,
    %add3A_163 = arith.addf %add3A_158, %gather3A_162 : vector<16xf32>
    %add3A_164 = arith.constant 392 : i32
    %add3A_165 = vector.broadcast %add3A_164 : i32 to vector<16xi32>
    %add3A_166 = arith.addi %iota3A_125, %add3A_165 : vector<16xi32>
    %gather3A_167 = tpu.vector_load_idx %arg9[%add3A_166] : memref<784xf32, #tpu.memory_space<vmem>>[vector<16xi32>], vector<16xf32>,
    %add3A_168 = arith.addf %add3A_163, %gather3A_167 : vector<16xf32>
    %add3A_169 = arith.constant 441 : i32
    %add3A_170 = vector.broadcast %add3A_169 : i32 to vector<16xi32>
    %add3A_171 = arith.addi %iota3A_125, %add3A_170 : vector<16xi32>
    %gather3A_172 = tpu.vector_load_idx %arg9[%add3A_171] : memref<784xf32, #tpu.memory_space<vmem>>[vector<16xi32>], vector<16xf32>,
    %add3A_173 = arith.addf %add3A_168, %gather3A_172 : vector<16xf32>
    %add3A_174 = arith.constant 490 : i32
    %add3A_175 = vector.broadcast %add3A_174 : i32 to vector<16xi32>
    %add3A_176 = arith.addi %iota3A_125, %add3A_175 : vector<16xi32>
    %gather3A_177 = tpu.vector_load_idx %arg9[%add3A_176] : memref<784xf32, #tpu.memory_space<vmem>>[vector<16xi32>], vector<16xf32>,
    %add3A_178 = arith.addf %add3A_173, %gather3A_177 : vector<16xf32>
    %add3A_179 = arith.constant 539 : i32
    %add3A_180 = vector.broadcast %add3A_179 : i32 to vector<16xi32>
    %add3A_181 = arith.addi %iota3A_125, %add3A_180 : vector<16xi32>
    %gather3A_182 = tpu.vector_load_idx %arg9[%add3A_181] : memref<784xf32, #tpu.memory_space<vmem>>[vector<16xi32>], vector<16xf32>,
    %add3A_183 = arith.addf %add3A_178, %gather3A_182 : vector<16xf32>
    %add3A_184 = arith.constant 588 : i32
    %add3A_185 = vector.broadcast %add3A_184 : i32 to vector<16xi32>
    %add3A_186 = arith.addi %iota3A_125, %add3A_185 : vector<16xi32>
    %gather3A_187 = tpu.vector_load_idx %arg9[%add3A_186] : memref<784xf32, #tpu.memory_space<vmem>>[vector<16xi32>], vector<16xf32>,
    %add3A_188 = arith.addf %add3A_183, %gather3A_187 : vector<16xf32>
    %add3A_189 = arith.constant 637 : i32
    %add3A_190 = vector.broadcast %add3A_189 : i32 to vector<16xi32>
    %add3A_191 = arith.addi %iota3A_125, %add3A_190 : vector<16xi32>
    %gather3A_192 = tpu.vector_load_idx %arg9[%add3A_191] : memref<784xf32, #tpu.memory_space<vmem>>[vector<16xi32>], vector<16xf32>,
    %add3A_193 = arith.addf %add3A_188, %gather3A_192 : vector<16xf32>
    %add3A_194 = arith.constant 686 : i32
    %add3A_195 = vector.broadcast %add3A_194 : i32 to vector<16xi32>
    %add3A_196 = arith.addi %iota3A_125, %add3A_195 : vector<16xi32>
    %gather3A_197 = tpu.vector_load_idx %arg9[%add3A_196] : memref<784xf32, #tpu.memory_space<vmem>>[vector<16xi32>], vector<16xf32>,
    %add3A_198 = arith.addf %add3A_193, %gather3A_197 : vector<16xf32>
    %add3A_199 = arith.constant 735 : i32
    %add3A_200 = vector.broadcast %add3A_199 : i32 to vector<16xi32>
    %add3A_201 = arith.addi %iota3A_125, %add3A_200 : vector<16xi32>
    %gather3A_202 = tpu.vector_load_idx %arg9[%add3A_201] : memref<784xf32, #tpu.memory_space<vmem>>[vector<16xi32>], vector<16xf32>,
    %add3A_203 = arith.addf %add3A_198, %gather3A_202 : vector<16xf32>
    %swap3A_204 = arith.constant 0 : index
    %swap3A_205 = tpu.vector_load %arg10[%swap3A_204] {strides = array<i32>} : memref<48xf32, #tpu.memory_space<vmem>>, vector<16xf32>,
    tpu.vector_store %arg10[%swap3A_204], %add3A_203 {strides = array<i32>} : memref<48xf32, #tpu.memory_space<vmem>>, vector<16xf32>,
    %add3A_206 = arith.constant 16 : i32
    %add3A_207 = vector.broadcast %add3A_206 : i32 to vector<16xi32>
    %add3A_208 = arith.addi %iota3A_125, %add3A_207 : vector<16xi32>
    %gather3A_209 = tpu.vector_load_idx %arg9[%add3A_208] : memref<784xf32, #tpu.memory_space<vmem>>[vector<16xi32>], vector<16xf32>,
    %add3A_210 = arith.constant 65 : i32
    %add3A_211 = vector.broadcast %add3A_210 : i32 to vector<16xi32>
    %add3A_212 = arith.addi %iota3A_125, %add3A_211 : vector<16xi32>
    %gather3A_213 = tpu.vector_load_idx %arg9[%add3A_212] : memref<784xf32, #tpu.memory_space<vmem>>[vector<16xi32>], vector<16xf32>,
    %add3A_214 = arith.addf %gather3A_209, %gather3A_213 : vector<16xf32>
    %add3A_215 = arith.constant 114 : i32
    %add3A_216 = vector.broadcast %add3A_215 : i32 to vector<16xi32>
    %add3A_217 = arith.addi %iota3A_125, %add3A_216 : vector<16xi32>
    %gather3A_218 = tpu.vector_load_idx %arg9[%add3A_217] : memref<784xf32, #tpu.memory_space<vmem>>[vector<16xi32>], vector<16xf32>,
    %add3A_219 = arith.addf %add3A_214, %gather3A_218 : vector<16xf32>
    %add3A_220 = arith.constant 163 : i32
    %add3A_221 = vector.broadcast %add3A_220 : i32 to vector<16xi32>
    %add3A_222 = arith.addi %iota3A_125, %add3A_221 : vector<16xi32>
    %gather3A_223 = tpu.vector_load_idx %arg9[%add3A_222] : memref<784xf32, #tpu.memory_space<vmem>>[vector<16xi32>], vector<16xf32>,
    %add3A_224 = arith.addf %add3A_219, %gather3A_223 : vector<16xf32>
    %add3A_225 = arith.constant 212 : i32
    %add3A_226 = vector.broadcast %add3A_225 : i32 to vector<16xi32>
    %add3A_227 = arith.addi %iota3A_125, %add3A_226 : vector<16xi32>
    %gather3A_228 = tpu.vector_load_idx %arg9[%add3A_227] : memref<784xf32, #tpu.memory_space<vmem>>[vector<16xi32>], vector<16xf32>,
    %add3A_229 = arith.addf %add3A_224, %gather3A_228 : vector<16xf32>
    %add3A_230 = arith.constant 261 : i32
    %add3A_231 = vector.broadcast %add3A_230 : i32 to vector<16xi32>
    %add3A_232 = arith.addi %iota3A_125, %add3A_231 : vector<16xi32>
    %gather3A_233 = tpu.vector_load_idx %arg9[%add3A_232] : memref<784xf32, #tpu.memory_space<vmem>>[vector<16xi32>], vector<16xf32>,
    %add3A_234 = arith.addf %add3A_229, %gather3A_233 : vector<16xf32>
    %add3A_235 = arith.constant 310 : i32
    %add3A_236 = vector.broadcast %add3A_235 : i32 to vector<16xi32>
    %add3A_237 = arith.addi %iota3A_125, %add3A_236 : vector<16xi32>
    %gather3A_238 = tpu.vector_load_idx %arg9[%add3A_237] : memref<784xf32, #tpu.memory_space<vmem>>[vector<16xi32>], vector<16xf32>,
    %add3A_239 = arith.addf %add3A_234, %gather3A_238 : vector<16xf32>
    %add3A_240 = arith.constant 359 : i32
    %add3A_241 = vector.broadcast %add3A_240 : i32 to vector<16xi32>
    %add3A_242 = arith.addi %iota3A_125, %add3A_241 : vector<16xi32>
    %gather3A_243 = tpu.vector_load_idx %arg9[%add3A_242] : memref<784xf32, #tpu.memory_space<vmem>>[vector<16xi32>], vector<16xf32>,
    %add3A_244 = arith.addf %add3A_239, %gather3A_243 : vector<16xf32>
    %add3A_245 = arith.constant 408 : i32
    %add3A_246 = vector.broadcast %add3A_245 : i32 to vector<16xi32>
    %add3A_247 = arith.addi %iota3A_125, %add3A_246 : vector<16xi32>
    %gather3A_248 = tpu.vector_load_idx %arg9[%add3A_247] : memref<784xf32, #tpu.memory_space<vmem>>[vector<16xi32>], vector<16xf32>,
    %add3A_249 = arith.addf %add3A_244, %gather3A_248 : vector<16xf32>
    %add3A_250 = arith.constant 457 : i32
    %add3A_251 = vector.broadcast %add3A_250 : i32 to vector<16xi32>
    %add3A_252 = arith.addi %iota3A_125, %add3A_251 : vector<16xi32>
    %gather3A_253 = tpu.vector_load_idx %arg9[%add3A_252] : memref<784xf32, #tpu.memory_space<vmem>>[vector<16xi32>], vector<16xf32>,
    %add3A_254 = arith.addf %add3A_249, %gather3A_253 : vector<16xf32>
    %add3A_255 = arith.constant 506 : i32
    %add3A_256 = vector.broadcast %add3A_255 : i32 to vector<16xi32>
    %add3A_257 = arith.addi %iota3A_125, %add3A_256 : vector<16xi32>
    %gather3A_258 = tpu.vector_load_idx %arg9[%add3A_257] : memref<784xf32, #tpu.memory_space<vmem>>[vector<16xi32>], vector<16xf32>,
    %add3A_259 = arith.addf %add3A_254, %gather3A_258 : vector<16xf32>
    %add3A_260 = arith.constant 555 : i32
    %add3A_261 = vector.broadcast %add3A_260 : i32 to vector<16xi32>
    %add3A_262 = arith.addi %iota3A_125, %add3A_261 : vector<16xi32>
    %gather3A_263 = tpu.vector_load_idx %arg9[%add3A_262] : memref<784xf32, #tpu.memory_space<vmem>>[vector<16xi32>], vector<16xf32>,
    %add3A_264 = arith.addf %add3A_259, %gather3A_263 : vector<16xf32>
    %add3A_265 = arith.constant 604 : i32
    %add3A_266 = vector.broadcast %add3A_265 : i32 to vector<16xi32>
    %add3A_267 = arith.addi %iota3A_125, %add3A_266 : vector<16xi32>
    %gather3A_268 = tpu.vector_load_idx %arg9[%add3A_267] : memref<784xf32, #tpu.memory_space<vmem>>[vector<16xi32>], vector<16xf32>,
    %add3A_269 = arith.addf %add3A_264, %gather3A_268 : vector<16xf32>
    %add3A_270 = arith.constant 653 : i32
    %add3A_271 = vector.broadcast %add3A_270 : i32 to vector<16xi32>
    %add3A_272 = arith.addi %iota3A_125, %add3A_271 : vector<16xi32>
    %gather3A_273 = tpu.vector_load_idx %arg9[%add3A_272] : memref<784xf32, #tpu.memory_space<vmem>>[vector<16xi32>], vector<16xf32>,
    %add3A_274 = arith.addf %add3A_269, %gather3A_273 : vector<16xf32>
    %add3A_275 = arith.constant 702 : i32
    %add3A_276 = vector.broadcast %add3A_275 : i32 to vector<16xi32>
    %add3A_277 = arith.addi %iota3A_125, %add3A_276 : vector<16xi32>
    %gather3A_278 = tpu.vector_load_idx %arg9[%add3A_277] : memref<784xf32, #tpu.memory_space<vmem>>[vector<16xi32>], vector<16xf32>,
    %add3A_279 = arith.addf %add3A_274, %gather3A_278 : vector<16xf32>
    %add3A_280 = arith.constant 751 : i32
    %add3A_281 = vector.broadcast %add3A_280 : i32 to vector<16xi32>
    %add3A_282 = arith.addi %iota3A_125, %add3A_281 : vector<16xi32>
    %gather3A_283 = tpu.vector_load_idx %arg9[%add3A_282] : memref<784xf32, #tpu.memory_space<vmem>>[vector<16xi32>], vector<16xf32>,
    %add3A_284 = arith.addf %add3A_279, %gather3A_283 : vector<16xf32>
    %swap3A_285 = arith.constant 16 : index
    %swap3A_286 = tpu.vector_load %arg10[%swap3A_285] {strides = array<i32>} : memref<48xf32, #tpu.memory_space<vmem>>, vector<16xf32>,
    tpu.vector_store %arg10[%swap3A_285], %add3A_284 {strides = array<i32>} : memref<48xf32, #tpu.memory_space<vmem>>, vector<16xf32>,
    %add3A_287 = arith.constant 32 : i32
    %add3A_288 = vector.broadcast %add3A_287 : i32 to vector<16xi32>
    %add3A_289 = arith.addi %iota3A_125, %add3A_288 : vector<16xi32>
    %gather3A_290 = tpu.vector_load_idx %arg9[%add3A_289] : memref<784xf32, #tpu.memory_space<vmem>>[vector<16xi32>], vector<16xf32>,
    %add3A_291 = arith.constant 81 : i32
    %add3A_292 = vector.broadcast %add3A_291 : i32 to vector<16xi32>
    %add3A_293 = arith.addi %iota3A_125, %add3A_292 : vector<16xi32>
    %gather3A_294 = tpu.vector_load_idx %arg9[%add3A_293] : memref<784xf32, #tpu.memory_space<vmem>>[vector<16xi32>], vector<16xf32>,
    %add3A_295 = arith.addf %gather3A_290, %gather3A_294 : vector<16xf32>
    %add3A_296 = arith.constant 130 : i32
    %add3A_297 = vector.broadcast %add3A_296 : i32 to vector<16xi32>
    %add3A_298 = arith.addi %iota3A_125, %add3A_297 : vector<16xi32>
    %gather3A_299 = tpu.vector_load_idx %arg9[%add3A_298] : memref<784xf32, #tpu.memory_space<vmem>>[vector<16xi32>], vector<16xf32>,
    %add3A_300 = arith.addf %add3A_295, %gather3A_299 : vector<16xf32>
    %add3A_301 = arith.constant 179 : i32
    %add3A_302 = vector.broadcast %add3A_301 : i32 to vector<16xi32>
    %add3A_303 = arith.addi %iota3A_125, %add3A_302 : vector<16xi32>
    %gather3A_304 = tpu.vector_load_idx %arg9[%add3A_303] : memref<784xf32, #tpu.memory_space<vmem>>[vector<16xi32>], vector<16xf32>,
    %add3A_305 = arith.addf %add3A_300, %gather3A_304 : vector<16xf32>
    %add3A_306 = arith.constant 228 : i32
    %add3A_307 = vector.broadcast %add3A_306 : i32 to vector<16xi32>
    %add3A_308 = arith.addi %iota3A_125, %add3A_307 : vector<16xi32>
    %gather3A_309 = tpu.vector_load_idx %arg9[%add3A_308] : memref<784xf32, #tpu.memory_space<vmem>>[vector<16xi32>], vector<16xf32>,
    %add3A_310 = arith.addf %add3A_305, %gather3A_309 : vector<16xf32>
    %add3A_311 = arith.constant 277 : i32
    %add3A_312 = vector.broadcast %add3A_311 : i32 to vector<16xi32>
    %add3A_313 = arith.addi %iota3A_125, %add3A_312 : vector<16xi32>
    %gather3A_314 = tpu.vector_load_idx %arg9[%add3A_313] : memref<784xf32, #tpu.memory_space<vmem>>[vector<16xi32>], vector<16xf32>,
    %add3A_315 = arith.addf %add3A_310, %gather3A_314 : vector<16xf32>
    %add3A_316 = arith.constant 326 : i32
    %add3A_317 = vector.broadcast %add3A_316 : i32 to vector<16xi32>
    %add3A_318 = arith.addi %iota3A_125, %add3A_317 : vector<16xi32>
    %gather3A_319 = tpu.vector_load_idx %arg9[%add3A_318] : memref<784xf32, #tpu.memory_space<vmem>>[vector<16xi32>], vector<16xf32>,
    %add3A_320 = arith.addf %add3A_315, %gather3A_319 : vector<16xf32>
    %add3A_321 = arith.constant 375 : i32
    %add3A_322 = vector.broadcast %add3A_321 : i32 to vector<16xi32>
    %add3A_323 = arith.addi %iota3A_125, %add3A_322 : vector<16xi32>
    %gather3A_324 = tpu.vector_load_idx %arg9[%add3A_323] : memref<784xf32, #tpu.memory_space<vmem>>[vector<16xi32>], vector<16xf32>,
    %add3A_325 = arith.addf %add3A_320, %gather3A_324 : vector<16xf32>
    %add3A_326 = arith.constant 424 : i32
    %add3A_327 = vector.broadcast %add3A_326 : i32 to vector<16xi32>
    %add3A_328 = arith.addi %iota3A_125, %add3A_327 : vector<16xi32>
    %gather3A_329 = tpu.vector_load_idx %arg9[%add3A_328] : memref<784xf32, #tpu.memory_space<vmem>>[vector<16xi32>], vector<16xf32>,
    %add3A_330 = arith.addf %add3A_325, %gather3A_329 : vector<16xf32>
    %add3A_331 = arith.constant 473 : i32
    %add3A_332 = vector.broadcast %add3A_331 : i32 to vector<16xi32>
    %add3A_333 = arith.addi %iota3A_125, %add3A_332 : vector<16xi32>
    %gather3A_334 = tpu.vector_load_idx %arg9[%add3A_333] : memref<784xf32, #tpu.memory_space<vmem>>[vector<16xi32>], vector<16xf32>,
    %add3A_335 = arith.addf %add3A_330, %gather3A_334 : vector<16xf32>
    %add3A_336 = arith.constant 522 : i32
    %add3A_337 = vector.broadcast %add3A_336 : i32 to vector<16xi32>
    %add3A_338 = arith.addi %iota3A_125, %add3A_337 : vector<16xi32>
    %gather3A_339 = tpu.vector_load_idx %arg9[%add3A_338] : memref<784xf32, #tpu.memory_space<vmem>>[vector<16xi32>], vector<16xf32>,
    %add3A_340 = arith.addf %add3A_335, %gather3A_339 : vector<16xf32>
    %add3A_341 = arith.constant 571 : i32
    %add3A_342 = vector.broadcast %add3A_341 : i32 to vector<16xi32>
    %add3A_343 = arith.addi %iota3A_125, %add3A_342 : vector<16xi32>
    %gather3A_344 = tpu.vector_load_idx %arg9[%add3A_343] : memref<784xf32, #tpu.memory_space<vmem>>[vector<16xi32>], vector<16xf32>,
    %add3A_345 = arith.addf %add3A_340, %gather3A_344 : vector<16xf32>
    %add3A_346 = arith.constant 620 : i32
    %add3A_347 = vector.broadcast %add3A_346 : i32 to vector<16xi32>
    %add3A_348 = arith.addi %iota3A_125, %add3A_347 : vector<16xi32>
    %gather3A_349 = tpu.vector_load_idx %arg9[%add3A_348] : memref<784xf32, #tpu.memory_space<vmem>>[vector<16xi32>], vector<16xf32>,
    %add3A_350 = arith.addf %add3A_345, %gather3A_349 : vector<16xf32>
    %add3A_351 = arith.constant 669 : i32
    %add3A_352 = vector.broadcast %add3A_351 : i32 to vector<16xi32>
    %add3A_353 = arith.addi %iota3A_125, %add3A_352 : vector<16xi32>
    %gather3A_354 = tpu.vector_load_idx %arg9[%add3A_353] : memref<784xf32, #tpu.memory_space<vmem>>[vector<16xi32>], vector<16xf32>,
    %add3A_355 = arith.addf %add3A_350, %gather3A_354 : vector<16xf32>
    %add3A_356 = arith.constant 718 : i32
    %add3A_357 = vector.broadcast %add3A_356 : i32 to vector<16xi32>
    %add3A_358 = arith.addi %iota3A_125, %add3A_357 : vector<16xi32>
    %gather3A_359 = tpu.vector_load_idx %arg9[%add3A_358] : memref<784xf32, #tpu.memory_space<vmem>>[vector<16xi32>], vector<16xf32>,
    %add3A_360 = arith.addf %add3A_355, %gather3A_359 : vector<16xf32>
    %add3A_361 = arith.constant 767 : i32
    %add3A_362 = vector.broadcast %add3A_361 : i32 to vector<16xi32>
    %add3A_363 = arith.addi %iota3A_125, %add3A_362 : vector<16xi32>
    %gather3A_364 = tpu.vector_load_idx %arg9[%add3A_363] : memref<784xf32, #tpu.memory_space<vmem>>[vector<16xi32>], vector<16xf32>,
    %add3A_365 = arith.addf %add3A_360, %gather3A_364 : vector<16xf32>
    %swap3A_366 = arith.constant 32 : index
    %swap3A_367 = tpu.vector_load %arg10[%swap3A_366] {strides = array<i32>} : memref<48xf32, #tpu.memory_space<vmem>>, vector<16xf32>,
    tpu.vector_store %arg10[%swap3A_366], %add3A_365 {strides = array<i32>} : memref<48xf32, #tpu.memory_space<vmem>>, vector<16xf32>,
    "tpu.region"() ({
      %run_scoped3A = tpu.sem_alloc : memref<!tpu.dma_semaphore, #tpu.memory_space<semaphore_mem>>
      %dma_start3A_368 = arith.constant 0 : i32
      %dma_start3A_369 = tpu.memref_slice %arg5[%add3A, %dma_start3A_368] : memref<32x48xf32, #tpu.memory_space<hbm>> -> memref<1x48xf32, #tpu.memory_space<hbm>>
      %dma_start3A_370 = tpu.memref_squeeze %dma_start3A_369 : memref<1x48xf32, #tpu.memory_space<hbm>> -> memref<48xf32, #tpu.memory_space<hbm>>
      %dma_start3A_371 = arith.constant 0 : i32
      %dma_start3A_372 = tpu.memref_slice %arg5[%add3A, %dma_start3A_371] : memref<32x48xf32, #tpu.memory_space<hbm>> -> memref<1x48xf32, #tpu.memory_space<hbm>>
      %dma_start3A_373 = tpu.memref_squeeze %dma_start3A_372 : memref<1x48xf32, #tpu.memory_space<hbm>> -> memref<48xf32, #tpu.memory_space<hbm>>
      tpu.enqueue_dma source(%arg10 : memref<48xf32, #tpu.memory_space<vmem>>) target(%dma_start3A_373 : memref<48xf32, #tpu.memory_space<hbm>>) target_semaphore(%run_scoped3A : memref<!tpu.dma_semaphore, #tpu.memory_space<semaphore_mem>>)
      %dma_wait3A_374 = arith.constant 0 : i32
      %dma_wait3A_375 = tpu.memref_slice %arg5[%add3A, %dma_wait3A_374] : memref<32x48xf32, #tpu.memory_space<hbm>> -> memref<1x48xf32, #tpu.memory_space<hbm>>
      %dma_wait3A_376 = tpu.memref_squeeze %dma_wait3A_375 : memref<1x48xf32, #tpu.memory_space<hbm>> -> memref<48xf32, #tpu.memory_space<hbm>>
      %dma_wait3A_377 = arith.constant 0 : i32
      %dma_wait3A_378 = tpu.memref_slice %arg5[%add3A, %dma_wait3A_377] : memref<32x48xf32, #tpu.memory_space<hbm>> -> memref<1x48xf32, #tpu.memory_space<hbm>>
      %dma_wait3A_379 = tpu.memref_squeeze %dma_wait3A_378 : memref<1x48xf32, #tpu.memory_space<hbm>> -> memref<48xf32, #tpu.memory_space<hbm>>
      tpu.wait_dma2 semaphore(%run_scoped3A : memref<!tpu.dma_semaphore, #tpu.memory_space<semaphore_mem>>) src(%arg10 : memref<48xf32, #tpu.memory_space<vmem>>) dst(%dma_wait3A_379 : memref<48xf32, #tpu.memory_space<hbm>>)
      tpu.yield
    }) : () -> ()
    return
  }
}

#map = affine_map<(d0, d1) -> (0)>
#map1 = affine_map<(d0, d1) -> (0, 0)>
module attributes {stable_mosaic.version = 14 : i64} {
  func.func @_sc_body(%arg0: i32, %arg1: i32, %arg2: memref<131072xi32, #tpu.memory_space<hbm>>, %arg3: memref<131072xf32, #tpu.memory_space<hbm>>, %arg4: memref<131072xf32, #tpu.memory_space<hbm>>, %arg5: memref<32x48xf32, #tpu.memory_space<hbm>>, %arg6: memref<4096xi32, #tpu.memory_space<vmem>>, %arg7: memref<4096xf32, #tpu.memory_space<vmem>>, %arg8: memref<4096xf32, #tpu.memory_space<vmem>>, %arg9: memref<784xf32, #tpu.memory_space<vmem>>, %arg10: memref<48xf32, #tpu.memory_space<vmem>>, %arg11: memref<!tpu.dma_semaphore, #tpu.memory_space<semaphore_mem>>) attributes {dimension_semantics = [#tpu.dimension_semantics<core_parallel>, #tpu.dimension_semantics<subcore_parallel>], iteration_bounds = array<i64: 2, 16>, scalar_prefetch = 0 : i64, scratch_operands = 6 : i64, tpu.core_type = #tpu.core_type<sc_vector_subcore>, window_params = [{transform_indices = #map}, {transform_indices = #map}, {transform_indices = #map}, {transform_indices = #map1}]} {
    %mul3A = arith.constant 2 : i32
    %mul3A_0 = arith.muli %arg1, %mul3A : i32
    %add3A = arith.addi %mul3A_0, %arg0 : i32
    %mul3A_1 = arith.constant 4096 : i32
    %mul3A_2 = arith.muli %add3A, %mul3A_1 : i32
    %dma_start3A = tpu.memref_slice %arg2[%mul3A_2] : memref<131072xi32, #tpu.memory_space<hbm>> -> memref<4096xi32, #tpu.memory_space<hbm>>
    %dma_start3A_3 = tpu.memref_slice %arg2[%mul3A_2] : memref<131072xi32, #tpu.memory_space<hbm>> -> memref<4096xi32, #tpu.memory_space<hbm>>
    tpu.enqueue_dma source(%dma_start3A_3 : memref<4096xi32, #tpu.memory_space<hbm>>) target(%arg6 : memref<4096xi32, #tpu.memory_space<vmem>>) target_semaphore(%arg11 : memref<!tpu.dma_semaphore, #tpu.memory_space<semaphore_mem>>)
    %dma_start3A_4 = tpu.memref_slice %arg3[%mul3A_2] : memref<131072xf32, #tpu.memory_space<hbm>> -> memref<4096xf32, #tpu.memory_space<hbm>>
    %dma_start3A_5 = tpu.memref_slice %arg3[%mul3A_2] : memref<131072xf32, #tpu.memory_space<hbm>> -> memref<4096xf32, #tpu.memory_space<hbm>>
    tpu.enqueue_dma source(%dma_start3A_5 : memref<4096xf32, #tpu.memory_space<hbm>>) target(%arg7 : memref<4096xf32, #tpu.memory_space<vmem>>) target_semaphore(%arg11 : memref<!tpu.dma_semaphore, #tpu.memory_space<semaphore_mem>>)
    %dma_start3A_6 = tpu.memref_slice %arg4[%mul3A_2] : memref<131072xf32, #tpu.memory_space<hbm>> -> memref<4096xf32, #tpu.memory_space<hbm>>
    %dma_start3A_7 = tpu.memref_slice %arg4[%mul3A_2] : memref<131072xf32, #tpu.memory_space<hbm>> -> memref<4096xf32, #tpu.memory_space<hbm>>
    tpu.enqueue_dma source(%dma_start3A_7 : memref<4096xf32, #tpu.memory_space<hbm>>) target(%arg8 : memref<4096xf32, #tpu.memory_space<vmem>>) target_semaphore(%arg11 : memref<!tpu.dma_semaphore, #tpu.memory_space<semaphore_mem>>)
    %broadcast_in_dim3A = arith.constant 0.000000e+00 : f32
    %broadcast_in_dim3A_8 = vector.broadcast %broadcast_in_dim3A : f32 to vector<16xf32>
    %swap3A = arith.constant 0 : index
    %swap3A_9 = tpu.vector_load %arg9[%swap3A] {strides = array<i32>} : memref<784xf32, #tpu.memory_space<vmem>>, vector<16xf32>,
    tpu.vector_store %arg9[%swap3A], %broadcast_in_dim3A_8 {strides = array<i32>} : memref<784xf32, #tpu.memory_space<vmem>>, vector<16xf32>,
    %swap3A_10 = arith.constant 16 : index
    %swap3A_11 = tpu.vector_load %arg9[%swap3A_10] {strides = array<i32>} : memref<784xf32, #tpu.memory_space<vmem>>, vector<16xf32>,
    tpu.vector_store %arg9[%swap3A_10], %broadcast_in_dim3A_8 {strides = array<i32>} : memref<784xf32, #tpu.memory_space<vmem>>, vector<16xf32>,
    %swap3A_12 = arith.constant 32 : index
    %swap3A_13 = tpu.vector_load %arg9[%swap3A_12] {strides = array<i32>} : memref<784xf32, #tpu.memory_space<vmem>>, vector<16xf32>,
    tpu.vector_store %arg9[%swap3A_12], %broadcast_in_dim3A_8 {strides = array<i32>} : memref<784xf32, #tpu.memory_space<vmem>>, vector<16xf32>,
    %swap3A_14 = arith.constant 48 : index
    %swap3A_15 = tpu.vector_load %arg9[%swap3A_14] {strides = array<i32>} : memref<784xf32, #tpu.memory_space<vmem>>, vector<16xf32>,
    tpu.vector_store %arg9[%swap3A_14], %broadcast_in_dim3A_8 {strides = array<i32>} : memref<784xf32, #tpu.memory_space<vmem>>, vector<16xf32>,
    %swap3A_16 = arith.constant 64 : index
    %swap3A_17 = tpu.vector_load %arg9[%swap3A_16] {strides = array<i32>} : memref<784xf32, #tpu.memory_space<vmem>>, vector<16xf32>,
    tpu.vector_store %arg9[%swap3A_16], %broadcast_in_dim3A_8 {strides = array<i32>} : memref<784xf32, #tpu.memory_space<vmem>>, vector<16xf32>,
    %swap3A_18 = arith.constant 80 : index
    %swap3A_19 = tpu.vector_load %arg9[%swap3A_18] {strides = array<i32>} : memref<784xf32, #tpu.memory_space<vmem>>, vector<16xf32>,
    tpu.vector_store %arg9[%swap3A_18], %broadcast_in_dim3A_8 {strides = array<i32>} : memref<784xf32, #tpu.memory_space<vmem>>, vector<16xf32>,
    %swap3A_20 = arith.constant 96 : index
    %swap3A_21 = tpu.vector_load %arg9[%swap3A_20] {strides = array<i32>} : memref<784xf32, #tpu.memory_space<vmem>>, vector<16xf32>,
    tpu.vector_store %arg9[%swap3A_20], %broadcast_in_dim3A_8 {strides = array<i32>} : memref<784xf32, #tpu.memory_space<vmem>>, vector<16xf32>,
    %swap3A_22 = arith.constant 112 : index
    %swap3A_23 = tpu.vector_load %arg9[%swap3A_22] {strides = array<i32>} : memref<784xf32, #tpu.memory_space<vmem>>, vector<16xf32>,
    tpu.vector_store %arg9[%swap3A_22], %broadcast_in_dim3A_8 {strides = array<i32>} : memref<784xf32, #tpu.memory_space<vmem>>, vector<16xf32>,
    %swap3A_24 = arith.constant 128 : index
    %swap3A_25 = tpu.vector_load %arg9[%swap3A_24] {strides = array<i32>} : memref<784xf32, #tpu.memory_space<vmem>>, vector<16xf32>,
    tpu.vector_store %arg9[%swap3A_24], %broadcast_in_dim3A_8 {strides = array<i32>} : memref<784xf32, #tpu.memory_space<vmem>>, vector<16xf32>,
    %swap3A_26 = arith.constant 144 : index
    %swap3A_27 = tpu.vector_load %arg9[%swap3A_26] {strides = array<i32>} : memref<784xf32, #tpu.memory_space<vmem>>, vector<16xf32>,
    tpu.vector_store %arg9[%swap3A_26], %broadcast_in_dim3A_8 {strides = array<i32>} : memref<784xf32, #tpu.memory_space<vmem>>, vector<16xf32>,
    %swap3A_28 = arith.constant 160 : index
    %swap3A_29 = tpu.vector_load %arg9[%swap3A_28] {strides = array<i32>} : memref<784xf32, #tpu.memory_space<vmem>>, vector<16xf32>,
    tpu.vector_store %arg9[%swap3A_28], %broadcast_in_dim3A_8 {strides = array<i32>} : memref<784xf32, #tpu.memory_space<vmem>>, vector<16xf32>,
    %swap3A_30 = arith.constant 176 : index
    %swap3A_31 = tpu.vector_load %arg9[%swap3A_30] {strides = array<i32>} : memref<784xf32, #tpu.memory_space<vmem>>, vector<16xf32>,
    tpu.vector_store %arg9[%swap3A_30], %broadcast_in_dim3A_8 {strides = array<i32>} : memref<784xf32, #tpu.memory_space<vmem>>, vector<16xf32>,
    %swap3A_32 = arith.constant 192 : index
    %swap3A_33 = tpu.vector_load %arg9[%swap3A_32] {strides = array<i32>} : memref<784xf32, #tpu.memory_space<vmem>>, vector<16xf32>,
    tpu.vector_store %arg9[%swap3A_32], %broadcast_in_dim3A_8 {strides = array<i32>} : memref<784xf32, #tpu.memory_space<vmem>>, vector<16xf32>,
    %swap3A_34 = arith.constant 208 : index
    %swap3A_35 = tpu.vector_load %arg9[%swap3A_34] {strides = array<i32>} : memref<784xf32, #tpu.memory_space<vmem>>, vector<16xf32>,
    tpu.vector_store %arg9[%swap3A_34], %broadcast_in_dim3A_8 {strides = array<i32>} : memref<784xf32, #tpu.memory_space<vmem>>, vector<16xf32>,
    %swap3A_36 = arith.constant 224 : index
    %swap3A_37 = tpu.vector_load %arg9[%swap3A_36] {strides = array<i32>} : memref<784xf32, #tpu.memory_space<vmem>>, vector<16xf32>,
    tpu.vector_store %arg9[%swap3A_36], %broadcast_in_dim3A_8 {strides = array<i32>} : memref<784xf32, #tpu.memory_space<vmem>>, vector<16xf32>,
    %swap3A_38 = arith.constant 240 : index
    %swap3A_39 = tpu.vector_load %arg9[%swap3A_38] {strides = array<i32>} : memref<784xf32, #tpu.memory_space<vmem>>, vector<16xf32>,
    tpu.vector_store %arg9[%swap3A_38], %broadcast_in_dim3A_8 {strides = array<i32>} : memref<784xf32, #tpu.memory_space<vmem>>, vector<16xf32>,
    %swap3A_40 = arith.constant 256 : index
    %swap3A_41 = tpu.vector_load %arg9[%swap3A_40] {strides = array<i32>} : memref<784xf32, #tpu.memory_space<vmem>>, vector<16xf32>,
    tpu.vector_store %arg9[%swap3A_40], %broadcast_in_dim3A_8 {strides = array<i32>} : memref<784xf32, #tpu.memory_space<vmem>>, vector<16xf32>,
    %swap3A_42 = arith.constant 272 : index
    %swap3A_43 = tpu.vector_load %arg9[%swap3A_42] {strides = array<i32>} : memref<784xf32, #tpu.memory_space<vmem>>, vector<16xf32>,
    tpu.vector_store %arg9[%swap3A_42], %broadcast_in_dim3A_8 {strides = array<i32>} : memref<784xf32, #tpu.memory_space<vmem>>, vector<16xf32>,
    %swap3A_44 = arith.constant 288 : index
    %swap3A_45 = tpu.vector_load %arg9[%swap3A_44] {strides = array<i32>} : memref<784xf32, #tpu.memory_space<vmem>>, vector<16xf32>,
    tpu.vector_store %arg9[%swap3A_44], %broadcast_in_dim3A_8 {strides = array<i32>} : memref<784xf32, #tpu.memory_space<vmem>>, vector<16xf32>,
    %swap3A_46 = arith.constant 304 : index
    %swap3A_47 = tpu.vector_load %arg9[%swap3A_46] {strides = array<i32>} : memref<784xf32, #tpu.memory_space<vmem>>, vector<16xf32>,
    tpu.vector_store %arg9[%swap3A_46], %broadcast_in_dim3A_8 {strides = array<i32>} : memref<784xf32, #tpu.memory_space<vmem>>, vector<16xf32>,
    %swap3A_48 = arith.constant 320 : index
    %swap3A_49 = tpu.vector_load %arg9[%swap3A_48] {strides = array<i32>} : memref<784xf32, #tpu.memory_space<vmem>>, vector<16xf32>,
    tpu.vector_store %arg9[%swap3A_48], %broadcast_in_dim3A_8 {strides = array<i32>} : memref<784xf32, #tpu.memory_space<vmem>>, vector<16xf32>,
    %swap3A_50 = arith.constant 336 : index
    %swap3A_51 = tpu.vector_load %arg9[%swap3A_50] {strides = array<i32>} : memref<784xf32, #tpu.memory_space<vmem>>, vector<16xf32>,
    tpu.vector_store %arg9[%swap3A_50], %broadcast_in_dim3A_8 {strides = array<i32>} : memref<784xf32, #tpu.memory_space<vmem>>, vector<16xf32>,
    %swap3A_52 = arith.constant 352 : index
    %swap3A_53 = tpu.vector_load %arg9[%swap3A_52] {strides = array<i32>} : memref<784xf32, #tpu.memory_space<vmem>>, vector<16xf32>,
    tpu.vector_store %arg9[%swap3A_52], %broadcast_in_dim3A_8 {strides = array<i32>} : memref<784xf32, #tpu.memory_space<vmem>>, vector<16xf32>,
    %swap3A_54 = arith.constant 368 : index
    %swap3A_55 = tpu.vector_load %arg9[%swap3A_54] {strides = array<i32>} : memref<784xf32, #tpu.memory_space<vmem>>, vector<16xf32>,
    tpu.vector_store %arg9[%swap3A_54], %broadcast_in_dim3A_8 {strides = array<i32>} : memref<784xf32, #tpu.memory_space<vmem>>, vector<16xf32>,
    %swap3A_56 = arith.constant 384 : index
    %swap3A_57 = tpu.vector_load %arg9[%swap3A_56] {strides = array<i32>} : memref<784xf32, #tpu.memory_space<vmem>>, vector<16xf32>,
    tpu.vector_store %arg9[%swap3A_56], %broadcast_in_dim3A_8 {strides = array<i32>} : memref<784xf32, #tpu.memory_space<vmem>>, vector<16xf32>,
    %swap3A_58 = arith.constant 400 : index
    %swap3A_59 = tpu.vector_load %arg9[%swap3A_58] {strides = array<i32>} : memref<784xf32, #tpu.memory_space<vmem>>, vector<16xf32>,
    tpu.vector_store %arg9[%swap3A_58], %broadcast_in_dim3A_8 {strides = array<i32>} : memref<784xf32, #tpu.memory_space<vmem>>, vector<16xf32>,
    %swap3A_60 = arith.constant 416 : index
    %swap3A_61 = tpu.vector_load %arg9[%swap3A_60] {strides = array<i32>} : memref<784xf32, #tpu.memory_space<vmem>>, vector<16xf32>,
    tpu.vector_store %arg9[%swap3A_60], %broadcast_in_dim3A_8 {strides = array<i32>} : memref<784xf32, #tpu.memory_space<vmem>>, vector<16xf32>,
    %swap3A_62 = arith.constant 432 : index
    %swap3A_63 = tpu.vector_load %arg9[%swap3A_62] {strides = array<i32>} : memref<784xf32, #tpu.memory_space<vmem>>, vector<16xf32>,
    tpu.vector_store %arg9[%swap3A_62], %broadcast_in_dim3A_8 {strides = array<i32>} : memref<784xf32, #tpu.memory_space<vmem>>, vector<16xf32>,
    %swap3A_64 = arith.constant 448 : index
    %swap3A_65 = tpu.vector_load %arg9[%swap3A_64] {strides = array<i32>} : memref<784xf32, #tpu.memory_space<vmem>>, vector<16xf32>,
    tpu.vector_store %arg9[%swap3A_64], %broadcast_in_dim3A_8 {strides = array<i32>} : memref<784xf32, #tpu.memory_space<vmem>>, vector<16xf32>,
    %swap3A_66 = arith.constant 464 : index
    %swap3A_67 = tpu.vector_load %arg9[%swap3A_66] {strides = array<i32>} : memref<784xf32, #tpu.memory_space<vmem>>, vector<16xf32>,
    tpu.vector_store %arg9[%swap3A_66], %broadcast_in_dim3A_8 {strides = array<i32>} : memref<784xf32, #tpu.memory_space<vmem>>, vector<16xf32>,
    %swap3A_68 = arith.constant 480 : index
    %swap3A_69 = tpu.vector_load %arg9[%swap3A_68] {strides = array<i32>} : memref<784xf32, #tpu.memory_space<vmem>>, vector<16xf32>,
    tpu.vector_store %arg9[%swap3A_68], %broadcast_in_dim3A_8 {strides = array<i32>} : memref<784xf32, #tpu.memory_space<vmem>>, vector<16xf32>,
    %swap3A_70 = arith.constant 496 : index
    %swap3A_71 = tpu.vector_load %arg9[%swap3A_70] {strides = array<i32>} : memref<784xf32, #tpu.memory_space<vmem>>, vector<16xf32>,
    tpu.vector_store %arg9[%swap3A_70], %broadcast_in_dim3A_8 {strides = array<i32>} : memref<784xf32, #tpu.memory_space<vmem>>, vector<16xf32>,
    %swap3A_72 = arith.constant 512 : index
    %swap3A_73 = tpu.vector_load %arg9[%swap3A_72] {strides = array<i32>} : memref<784xf32, #tpu.memory_space<vmem>>, vector<16xf32>,
    tpu.vector_store %arg9[%swap3A_72], %broadcast_in_dim3A_8 {strides = array<i32>} : memref<784xf32, #tpu.memory_space<vmem>>, vector<16xf32>,
    %swap3A_74 = arith.constant 528 : index
    %swap3A_75 = tpu.vector_load %arg9[%swap3A_74] {strides = array<i32>} : memref<784xf32, #tpu.memory_space<vmem>>, vector<16xf32>,
    tpu.vector_store %arg9[%swap3A_74], %broadcast_in_dim3A_8 {strides = array<i32>} : memref<784xf32, #tpu.memory_space<vmem>>, vector<16xf32>,
    %swap3A_76 = arith.constant 544 : index
    %swap3A_77 = tpu.vector_load %arg9[%swap3A_76] {strides = array<i32>} : memref<784xf32, #tpu.memory_space<vmem>>, vector<16xf32>,
    tpu.vector_store %arg9[%swap3A_76], %broadcast_in_dim3A_8 {strides = array<i32>} : memref<784xf32, #tpu.memory_space<vmem>>, vector<16xf32>,
    %swap3A_78 = arith.constant 560 : index
    %swap3A_79 = tpu.vector_load %arg9[%swap3A_78] {strides = array<i32>} : memref<784xf32, #tpu.memory_space<vmem>>, vector<16xf32>,
    tpu.vector_store %arg9[%swap3A_78], %broadcast_in_dim3A_8 {strides = array<i32>} : memref<784xf32, #tpu.memory_space<vmem>>, vector<16xf32>,
    %swap3A_80 = arith.constant 576 : index
    %swap3A_81 = tpu.vector_load %arg9[%swap3A_80] {strides = array<i32>} : memref<784xf32, #tpu.memory_space<vmem>>, vector<16xf32>,
    tpu.vector_store %arg9[%swap3A_80], %broadcast_in_dim3A_8 {strides = array<i32>} : memref<784xf32, #tpu.memory_space<vmem>>, vector<16xf32>,
    %swap3A_82 = arith.constant 592 : index
    %swap3A_83 = tpu.vector_load %arg9[%swap3A_82] {strides = array<i32>} : memref<784xf32, #tpu.memory_space<vmem>>, vector<16xf32>,
    tpu.vector_store %arg9[%swap3A_82], %broadcast_in_dim3A_8 {strides = array<i32>} : memref<784xf32, #tpu.memory_space<vmem>>, vector<16xf32>,
    %swap3A_84 = arith.constant 608 : index
    %swap3A_85 = tpu.vector_load %arg9[%swap3A_84] {strides = array<i32>} : memref<784xf32, #tpu.memory_space<vmem>>, vector<16xf32>,
    tpu.vector_store %arg9[%swap3A_84], %broadcast_in_dim3A_8 {strides = array<i32>} : memref<784xf32, #tpu.memory_space<vmem>>, vector<16xf32>,
    %swap3A_86 = arith.constant 624 : index
    %swap3A_87 = tpu.vector_load %arg9[%swap3A_86] {strides = array<i32>} : memref<784xf32, #tpu.memory_space<vmem>>, vector<16xf32>,
    tpu.vector_store %arg9[%swap3A_86], %broadcast_in_dim3A_8 {strides = array<i32>} : memref<784xf32, #tpu.memory_space<vmem>>, vector<16xf32>,
    %swap3A_88 = arith.constant 640 : index
    %swap3A_89 = tpu.vector_load %arg9[%swap3A_88] {strides = array<i32>} : memref<784xf32, #tpu.memory_space<vmem>>, vector<16xf32>,
    tpu.vector_store %arg9[%swap3A_88], %broadcast_in_dim3A_8 {strides = array<i32>} : memref<784xf32, #tpu.memory_space<vmem>>, vector<16xf32>,
    %swap3A_90 = arith.constant 656 : index
    %swap3A_91 = tpu.vector_load %arg9[%swap3A_90] {strides = array<i32>} : memref<784xf32, #tpu.memory_space<vmem>>, vector<16xf32>,
    tpu.vector_store %arg9[%swap3A_90], %broadcast_in_dim3A_8 {strides = array<i32>} : memref<784xf32, #tpu.memory_space<vmem>>, vector<16xf32>,
    %swap3A_92 = arith.constant 672 : index
    %swap3A_93 = tpu.vector_load %arg9[%swap3A_92] {strides = array<i32>} : memref<784xf32, #tpu.memory_space<vmem>>, vector<16xf32>,
    tpu.vector_store %arg9[%swap3A_92], %broadcast_in_dim3A_8 {strides = array<i32>} : memref<784xf32, #tpu.memory_space<vmem>>, vector<16xf32>,
    %swap3A_94 = arith.constant 688 : index
    %swap3A_95 = tpu.vector_load %arg9[%swap3A_94] {strides = array<i32>} : memref<784xf32, #tpu.memory_space<vmem>>, vector<16xf32>,
    tpu.vector_store %arg9[%swap3A_94], %broadcast_in_dim3A_8 {strides = array<i32>} : memref<784xf32, #tpu.memory_space<vmem>>, vector<16xf32>,
    %swap3A_96 = arith.constant 704 : index
    %swap3A_97 = tpu.vector_load %arg9[%swap3A_96] {strides = array<i32>} : memref<784xf32, #tpu.memory_space<vmem>>, vector<16xf32>,
    tpu.vector_store %arg9[%swap3A_96], %broadcast_in_dim3A_8 {strides = array<i32>} : memref<784xf32, #tpu.memory_space<vmem>>, vector<16xf32>,
    %swap3A_98 = arith.constant 720 : index
    %swap3A_99 = tpu.vector_load %arg9[%swap3A_98] {strides = array<i32>} : memref<784xf32, #tpu.memory_space<vmem>>, vector<16xf32>,
    tpu.vector_store %arg9[%swap3A_98], %broadcast_in_dim3A_8 {strides = array<i32>} : memref<784xf32, #tpu.memory_space<vmem>>, vector<16xf32>,
    %swap3A_100 = arith.constant 736 : index
    %swap3A_101 = tpu.vector_load %arg9[%swap3A_100] {strides = array<i32>} : memref<784xf32, #tpu.memory_space<vmem>>, vector<16xf32>,
    tpu.vector_store %arg9[%swap3A_100], %broadcast_in_dim3A_8 {strides = array<i32>} : memref<784xf32, #tpu.memory_space<vmem>>, vector<16xf32>,
    %swap3A_102 = arith.constant 752 : index
    %swap3A_103 = tpu.vector_load %arg9[%swap3A_102] {strides = array<i32>} : memref<784xf32, #tpu.memory_space<vmem>>, vector<16xf32>,
    tpu.vector_store %arg9[%swap3A_102], %broadcast_in_dim3A_8 {strides = array<i32>} : memref<784xf32, #tpu.memory_space<vmem>>, vector<16xf32>,
    %swap3A_104 = arith.constant 768 : index
    %swap3A_105 = tpu.vector_load %arg9[%swap3A_104] {strides = array<i32>} : memref<784xf32, #tpu.memory_space<vmem>>, vector<16xf32>,
    tpu.vector_store %arg9[%swap3A_104], %broadcast_in_dim3A_8 {strides = array<i32>} : memref<784xf32, #tpu.memory_space<vmem>>, vector<16xf32>,
    %dma_wait3A = tpu.memref_slice %arg2[%mul3A_2] : memref<131072xi32, #tpu.memory_space<hbm>> -> memref<4096xi32, #tpu.memory_space<hbm>>
    %dma_wait3A_106 = tpu.memref_slice %arg2[%mul3A_2] : memref<131072xi32, #tpu.memory_space<hbm>> -> memref<4096xi32, #tpu.memory_space<hbm>>
    tpu.wait_dma2 semaphore(%arg11 : memref<!tpu.dma_semaphore, #tpu.memory_space<semaphore_mem>>) src(%dma_wait3A_106 : memref<4096xi32, #tpu.memory_space<hbm>>) dst(%arg6 : memref<4096xi32, #tpu.memory_space<vmem>>)
    %dma_wait3A_107 = tpu.memref_slice %arg3[%mul3A_2] : memref<131072xf32, #tpu.memory_space<hbm>> -> memref<4096xf32, #tpu.memory_space<hbm>>
    %dma_wait3A_108 = tpu.memref_slice %arg3[%mul3A_2] : memref<131072xf32, #tpu.memory_space<hbm>> -> memref<4096xf32, #tpu.memory_space<hbm>>
    tpu.wait_dma2 semaphore(%arg11 : memref<!tpu.dma_semaphore, #tpu.memory_space<semaphore_mem>>) src(%dma_wait3A_108 : memref<4096xf32, #tpu.memory_space<hbm>>) dst(%arg7 : memref<4096xf32, #tpu.memory_space<vmem>>)
    %dma_wait3A_109 = tpu.memref_slice %arg4[%mul3A_2] : memref<131072xf32, #tpu.memory_space<hbm>> -> memref<4096xf32, #tpu.memory_space<hbm>>
    %dma_wait3A_110 = tpu.memref_slice %arg4[%mul3A_2] : memref<131072xf32, #tpu.memory_space<hbm>> -> memref<4096xf32, #tpu.memory_space<hbm>>
    tpu.wait_dma2 semaphore(%arg11 : memref<!tpu.dma_semaphore, #tpu.memory_space<semaphore_mem>>) src(%dma_wait3A_110 : memref<4096xf32, #tpu.memory_space<hbm>>) dst(%arg8 : memref<4096xf32, #tpu.memory_space<vmem>>)
    %broadcast_in_dim3A_111 = arith.constant 1.000000e+00 : f32
    %broadcast_in_dim3A_112 = vector.broadcast %broadcast_in_dim3A_111 : f32 to vector<16xf32>
    %iota3A = tpu.iota {dimensions = array<i32: 0>} : vector<16xi32>
    %mul3A_113 = arith.constant 49 : i32
    %mul3A_114 = vector.broadcast %mul3A_113 : i32 to vector<16xi32>
    %mul3A_115 = arith.muli %iota3A, %mul3A_114 : vector<16xi32>
    %broadcast_in_dim3A_116 = arith.constant 16 : i32
    %broadcast_in_dim3A_117 = vector.broadcast %broadcast_in_dim3A_116 : i32 to vector<16xi32>
    %broadcast_in_dim3A_118 = arith.constant 32 : i32
    %broadcast_in_dim3A_119 = vector.broadcast %broadcast_in_dim3A_118 : i32 to vector<16xi32>
    %scan3A = arith.constant 0 : i32
    %scan3A_120 = arith.constant 0 : i32
    %scan3A_121 = arith.constant 64 : i32
    %scan3A_122 = arith.addi %scan3A_120, %scan3A_121 : i32
    %scan3A_123 = arith.constant 1 : i32
    scf.for %scan3A_368 = %scan3A_120 to %scan3A_122 step %scan3A_123  : i32 {
      %mul3A_369 = arith.constant 64 : i32
      %mul3A_370 = arith.muli %scan3A_368, %mul3A_369 : i32
      %add3A_371 = arith.constant 0 : i32
      %add3A_372 = arith.addi %mul3A_370, %add3A_371 : i32
      %get3A = arith.index_cast %add3A_372 : i32 to index
      %get3A_373 = tpu.vector_load %arg6[%get3A] {strides = array<i32>} : memref<4096xi32, #tpu.memory_space<vmem>>, vector<16xi32>,
      %add3A_374 = arith.addi %get3A_373, %mul3A_115 : vector<16xi32>
      %get3A_375 = arith.index_cast %add3A_372 : i32 to index
      %get3A_376 = tpu.vector_load %arg7[%get3A_375] {strides = array<i32>} : memref<4096xf32, #tpu.memory_space<vmem>>, vector<16xf32>,
      %get3A_377 = arith.index_cast %add3A_372 : i32 to index
      %get3A_378 = tpu.vector_load %arg8[%get3A_377] {strides = array<i32>} : memref<4096xf32, #tpu.memory_space<vmem>>, vector<16xf32>,
      tpu.vector_store_idx %arg9[%add3A_374], %broadcast_in_dim3A_112 {add = true} : memref<784xf32, #tpu.memory_space<vmem>>[vector<16xi32>], vector<16xf32>,
      %add3A_379 = arith.addi %add3A_374, %broadcast_in_dim3A_117 : vector<16xi32>
      tpu.vector_store_idx %arg9[%add3A_379], %get3A_376 {add = true} : memref<784xf32, #tpu.memory_space<vmem>>[vector<16xi32>], vector<16xf32>,
      %add3A_380 = arith.addi %add3A_374, %broadcast_in_dim3A_119 : vector<16xi32>
      tpu.vector_store_idx %arg9[%add3A_380], %get3A_378 {add = true} : memref<784xf32, #tpu.memory_space<vmem>>[vector<16xi32>], vector<16xf32>,
      %mul3A_381 = arith.constant 64 : i32
      %mul3A_382 = arith.muli %scan3A_368, %mul3A_381 : i32
      %add3A_383 = arith.constant 16 : i32
      %add3A_384 = arith.addi %mul3A_382, %add3A_383 : i32
      %get3A_385 = arith.index_cast %add3A_384 : i32 to index
      %get3A_386 = tpu.vector_load %arg6[%get3A_385] {strides = array<i32>} : memref<4096xi32, #tpu.memory_space<vmem>>, vector<16xi32>,
      %add3A_387 = arith.addi %get3A_386, %mul3A_115 : vector<16xi32>
      %get3A_388 = arith.index_cast %add3A_384 : i32 to index
      %get3A_389 = tpu.vector_load %arg7[%get3A_388] {strides = array<i32>} : memref<4096xf32, #tpu.memory_space<vmem>>, vector<16xf32>,
      %get3A_390 = arith.index_cast %add3A_384 : i32 to index
      %get3A_391 = tpu.vector_load %arg8[%get3A_390] {strides = array<i32>} : memref<4096xf32, #tpu.memory_space<vmem>>, vector<16xf32>,
      tpu.vector_store_idx %arg9[%add3A_387], %broadcast_in_dim3A_112 {add = true} : memref<784xf32, #tpu.memory_space<vmem>>[vector<16xi32>], vector<16xf32>,
      %add3A_392 = arith.addi %add3A_387, %broadcast_in_dim3A_117 : vector<16xi32>
      tpu.vector_store_idx %arg9[%add3A_392], %get3A_389 {add = true} : memref<784xf32, #tpu.memory_space<vmem>>[vector<16xi32>], vector<16xf32>,
      %add3A_393 = arith.addi %add3A_387, %broadcast_in_dim3A_119 : vector<16xi32>
      tpu.vector_store_idx %arg9[%add3A_393], %get3A_391 {add = true} : memref<784xf32, #tpu.memory_space<vmem>>[vector<16xi32>], vector<16xf32>,
      %mul3A_394 = arith.constant 64 : i32
      %mul3A_395 = arith.muli %scan3A_368, %mul3A_394 : i32
      %add3A_396 = arith.constant 32 : i32
      %add3A_397 = arith.addi %mul3A_395, %add3A_396 : i32
      %get3A_398 = arith.index_cast %add3A_397 : i32 to index
      %get3A_399 = tpu.vector_load %arg6[%get3A_398] {strides = array<i32>} : memref<4096xi32, #tpu.memory_space<vmem>>, vector<16xi32>,
      %add3A_400 = arith.addi %get3A_399, %mul3A_115 : vector<16xi32>
      %get3A_401 = arith.index_cast %add3A_397 : i32 to index
      %get3A_402 = tpu.vector_load %arg7[%get3A_401] {strides = array<i32>} : memref<4096xf32, #tpu.memory_space<vmem>>, vector<16xf32>,
      %get3A_403 = arith.index_cast %add3A_397 : i32 to index
      %get3A_404 = tpu.vector_load %arg8[%get3A_403] {strides = array<i32>} : memref<4096xf32, #tpu.memory_space<vmem>>, vector<16xf32>,
      tpu.vector_store_idx %arg9[%add3A_400], %broadcast_in_dim3A_112 {add = true} : memref<784xf32, #tpu.memory_space<vmem>>[vector<16xi32>], vector<16xf32>,
      %add3A_405 = arith.addi %add3A_400, %broadcast_in_dim3A_117 : vector<16xi32>
      tpu.vector_store_idx %arg9[%add3A_405], %get3A_402 {add = true} : memref<784xf32, #tpu.memory_space<vmem>>[vector<16xi32>], vector<16xf32>,
      %add3A_406 = arith.addi %add3A_400, %broadcast_in_dim3A_119 : vector<16xi32>
      tpu.vector_store_idx %arg9[%add3A_406], %get3A_404 {add = true} : memref<784xf32, #tpu.memory_space<vmem>>[vector<16xi32>], vector<16xf32>,
      %mul3A_407 = arith.constant 64 : i32
      %mul3A_408 = arith.muli %scan3A_368, %mul3A_407 : i32
      %add3A_409 = arith.constant 48 : i32
      %add3A_410 = arith.addi %mul3A_408, %add3A_409 : i32
      %get3A_411 = arith.index_cast %add3A_410 : i32 to index
      %get3A_412 = tpu.vector_load %arg6[%get3A_411] {strides = array<i32>} : memref<4096xi32, #tpu.memory_space<vmem>>, vector<16xi32>,
      %add3A_413 = arith.addi %get3A_412, %mul3A_115 : vector<16xi32>
      %get3A_414 = arith.index_cast %add3A_410 : i32 to index
      %get3A_415 = tpu.vector_load %arg7[%get3A_414] {strides = array<i32>} : memref<4096xf32, #tpu.memory_space<vmem>>, vector<16xf32>,
      %get3A_416 = arith.index_cast %add3A_410 : i32 to index
      %get3A_417 = tpu.vector_load %arg8[%get3A_416] {strides = array<i32>} : memref<4096xf32, #tpu.memory_space<vmem>>, vector<16xf32>,
      tpu.vector_store_idx %arg9[%add3A_413], %broadcast_in_dim3A_112 {add = true} : memref<784xf32, #tpu.memory_space<vmem>>[vector<16xi32>], vector<16xf32>,
      %add3A_418 = arith.addi %add3A_413, %broadcast_in_dim3A_117 : vector<16xi32>
      tpu.vector_store_idx %arg9[%add3A_418], %get3A_415 {add = true} : memref<784xf32, #tpu.memory_space<vmem>>[vector<16xi32>], vector<16xf32>,
      %add3A_419 = arith.addi %add3A_413, %broadcast_in_dim3A_119 : vector<16xi32>
      tpu.vector_store_idx %arg9[%add3A_419], %get3A_417 {add = true} : memref<784xf32, #tpu.memory_space<vmem>>[vector<16xi32>], vector<16xf32>,
    }
    %scan3A_124 = arith.constant 64 : i32
    %iota3A_125 = tpu.iota {dimensions = array<i32: 0>} : vector<16xi32>
    %add3A_126 = arith.constant 0 : i32
    %add3A_127 = vector.broadcast %add3A_126 : i32 to vector<16xi32>
    %add3A_128 = arith.addi %iota3A_125, %add3A_127 : vector<16xi32>
    %gather3A = tpu.vector_load_idx %arg9[%add3A_128] : memref<784xf32, #tpu.memory_space<vmem>>[vector<16xi32>], vector<16xf32>,
    %add3A_129 = arith.constant 49 : i32
    %add3A_130 = vector.broadcast %add3A_129 : i32 to vector<16xi32>
    %add3A_131 = arith.addi %iota3A_125, %add3A_130 : vector<16xi32>
    %gather3A_132 = tpu.vector_load_idx %arg9[%add3A_131] : memref<784xf32, #tpu.memory_space<vmem>>[vector<16xi32>], vector<16xf32>,
    %add3A_133 = arith.addf %gather3A, %gather3A_132 : vector<16xf32>
    %add3A_134 = arith.constant 98 : i32
    %add3A_135 = vector.broadcast %add3A_134 : i32 to vector<16xi32>
    %add3A_136 = arith.addi %iota3A_125, %add3A_135 : vector<16xi32>
    %gather3A_137 = tpu.vector_load_idx %arg9[%add3A_136] : memref<784xf32, #tpu.memory_space<vmem>>[vector<16xi32>], vector<16xf32>,
    %add3A_138 = arith.addf %add3A_133, %gather3A_137 : vector<16xf32>
    %add3A_139 = arith.constant 147 : i32
    %add3A_140 = vector.broadcast %add3A_139 : i32 to vector<16xi32>
    %add3A_141 = arith.addi %iota3A_125, %add3A_140 : vector<16xi32>
    %gather3A_142 = tpu.vector_load_idx %arg9[%add3A_141] : memref<784xf32, #tpu.memory_space<vmem>>[vector<16xi32>], vector<16xf32>,
    %add3A_143 = arith.addf %add3A_138, %gather3A_142 : vector<16xf32>
    %add3A_144 = arith.constant 196 : i32
    %add3A_145 = vector.broadcast %add3A_144 : i32 to vector<16xi32>
    %add3A_146 = arith.addi %iota3A_125, %add3A_145 : vector<16xi32>
    %gather3A_147 = tpu.vector_load_idx %arg9[%add3A_146] : memref<784xf32, #tpu.memory_space<vmem>>[vector<16xi32>], vector<16xf32>,
    %add3A_148 = arith.addf %add3A_143, %gather3A_147 : vector<16xf32>
    %add3A_149 = arith.constant 245 : i32
    %add3A_150 = vector.broadcast %add3A_149 : i32 to vector<16xi32>
    %add3A_151 = arith.addi %iota3A_125, %add3A_150 : vector<16xi32>
    %gather3A_152 = tpu.vector_load_idx %arg9[%add3A_151] : memref<784xf32, #tpu.memory_space<vmem>>[vector<16xi32>], vector<16xf32>,
    %add3A_153 = arith.addf %add3A_148, %gather3A_152 : vector<16xf32>
    %add3A_154 = arith.constant 294 : i32
    %add3A_155 = vector.broadcast %add3A_154 : i32 to vector<16xi32>
    %add3A_156 = arith.addi %iota3A_125, %add3A_155 : vector<16xi32>
    %gather3A_157 = tpu.vector_load_idx %arg9[%add3A_156] : memref<784xf32, #tpu.memory_space<vmem>>[vector<16xi32>], vector<16xf32>,
    %add3A_158 = arith.addf %add3A_153, %gather3A_157 : vector<16xf32>
    %add3A_159 = arith.constant 343 : i32
    %add3A_160 = vector.broadcast %add3A_159 : i32 to vector<16xi32>
    %add3A_161 = arith.addi %iota3A_125, %add3A_160 : vector<16xi32>
    %gather3A_162 = tpu.vector_load_idx %arg9[%add3A_161] : memref<784xf32, #tpu.memory_space<vmem>>[vector<16xi32>], vector<16xf32>,
    %add3A_163 = arith.addf %add3A_158, %gather3A_162 : vector<16xf32>
    %add3A_164 = arith.constant 392 : i32
    %add3A_165 = vector.broadcast %add3A_164 : i32 to vector<16xi32>
    %add3A_166 = arith.addi %iota3A_125, %add3A_165 : vector<16xi32>
    %gather3A_167 = tpu.vector_load_idx %arg9[%add3A_166] : memref<784xf32, #tpu.memory_space<vmem>>[vector<16xi32>], vector<16xf32>,
    %add3A_168 = arith.addf %add3A_163, %gather3A_167 : vector<16xf32>
    %add3A_169 = arith.constant 441 : i32
    %add3A_170 = vector.broadcast %add3A_169 : i32 to vector<16xi32>
    %add3A_171 = arith.addi %iota3A_125, %add3A_170 : vector<16xi32>
    %gather3A_172 = tpu.vector_load_idx %arg9[%add3A_171] : memref<784xf32, #tpu.memory_space<vmem>>[vector<16xi32>], vector<16xf32>,
    %add3A_173 = arith.addf %add3A_168, %gather3A_172 : vector<16xf32>
    %add3A_174 = arith.constant 490 : i32
    %add3A_175 = vector.broadcast %add3A_174 : i32 to vector<16xi32>
    %add3A_176 = arith.addi %iota3A_125, %add3A_175 : vector<16xi32>
    %gather3A_177 = tpu.vector_load_idx %arg9[%add3A_176] : memref<784xf32, #tpu.memory_space<vmem>>[vector<16xi32>], vector<16xf32>,
    %add3A_178 = arith.addf %add3A_173, %gather3A_177 : vector<16xf32>
    %add3A_179 = arith.constant 539 : i32
    %add3A_180 = vector.broadcast %add3A_179 : i32 to vector<16xi32>
    %add3A_181 = arith.addi %iota3A_125, %add3A_180 : vector<16xi32>
    %gather3A_182 = tpu.vector_load_idx %arg9[%add3A_181] : memref<784xf32, #tpu.memory_space<vmem>>[vector<16xi32>], vector<16xf32>,
    %add3A_183 = arith.addf %add3A_178, %gather3A_182 : vector<16xf32>
    %add3A_184 = arith.constant 588 : i32
    %add3A_185 = vector.broadcast %add3A_184 : i32 to vector<16xi32>
    %add3A_186 = arith.addi %iota3A_125, %add3A_185 : vector<16xi32>
    %gather3A_187 = tpu.vector_load_idx %arg9[%add3A_186] : memref<784xf32, #tpu.memory_space<vmem>>[vector<16xi32>], vector<16xf32>,
    %add3A_188 = arith.addf %add3A_183, %gather3A_187 : vector<16xf32>
    %add3A_189 = arith.constant 637 : i32
    %add3A_190 = vector.broadcast %add3A_189 : i32 to vector<16xi32>
    %add3A_191 = arith.addi %iota3A_125, %add3A_190 : vector<16xi32>
    %gather3A_192 = tpu.vector_load_idx %arg9[%add3A_191] : memref<784xf32, #tpu.memory_space<vmem>>[vector<16xi32>], vector<16xf32>,
    %add3A_193 = arith.addf %add3A_188, %gather3A_192 : vector<16xf32>
    %add3A_194 = arith.constant 686 : i32
    %add3A_195 = vector.broadcast %add3A_194 : i32 to vector<16xi32>
    %add3A_196 = arith.addi %iota3A_125, %add3A_195 : vector<16xi32>
    %gather3A_197 = tpu.vector_load_idx %arg9[%add3A_196] : memref<784xf32, #tpu.memory_space<vmem>>[vector<16xi32>], vector<16xf32>,
    %add3A_198 = arith.addf %add3A_193, %gather3A_197 : vector<16xf32>
    %add3A_199 = arith.constant 735 : i32
    %add3A_200 = vector.broadcast %add3A_199 : i32 to vector<16xi32>
    %add3A_201 = arith.addi %iota3A_125, %add3A_200 : vector<16xi32>
    %gather3A_202 = tpu.vector_load_idx %arg9[%add3A_201] : memref<784xf32, #tpu.memory_space<vmem>>[vector<16xi32>], vector<16xf32>,
    %add3A_203 = arith.addf %add3A_198, %gather3A_202 : vector<16xf32>
    %swap3A_204 = arith.constant 0 : index
    %swap3A_205 = tpu.vector_load %arg10[%swap3A_204] {strides = array<i32>} : memref<48xf32, #tpu.memory_space<vmem>>, vector<16xf32>,
    tpu.vector_store %arg10[%swap3A_204], %add3A_203 {strides = array<i32>} : memref<48xf32, #tpu.memory_space<vmem>>, vector<16xf32>,
    %add3A_206 = arith.constant 16 : i32
    %add3A_207 = vector.broadcast %add3A_206 : i32 to vector<16xi32>
    %add3A_208 = arith.addi %iota3A_125, %add3A_207 : vector<16xi32>
    %gather3A_209 = tpu.vector_load_idx %arg9[%add3A_208] : memref<784xf32, #tpu.memory_space<vmem>>[vector<16xi32>], vector<16xf32>,
    %add3A_210 = arith.constant 65 : i32
    %add3A_211 = vector.broadcast %add3A_210 : i32 to vector<16xi32>
    %add3A_212 = arith.addi %iota3A_125, %add3A_211 : vector<16xi32>
    %gather3A_213 = tpu.vector_load_idx %arg9[%add3A_212] : memref<784xf32, #tpu.memory_space<vmem>>[vector<16xi32>], vector<16xf32>,
    %add3A_214 = arith.addf %gather3A_209, %gather3A_213 : vector<16xf32>
    %add3A_215 = arith.constant 114 : i32
    %add3A_216 = vector.broadcast %add3A_215 : i32 to vector<16xi32>
    %add3A_217 = arith.addi %iota3A_125, %add3A_216 : vector<16xi32>
    %gather3A_218 = tpu.vector_load_idx %arg9[%add3A_217] : memref<784xf32, #tpu.memory_space<vmem>>[vector<16xi32>], vector<16xf32>,
    %add3A_219 = arith.addf %add3A_214, %gather3A_218 : vector<16xf32>
    %add3A_220 = arith.constant 163 : i32
    %add3A_221 = vector.broadcast %add3A_220 : i32 to vector<16xi32>
    %add3A_222 = arith.addi %iota3A_125, %add3A_221 : vector<16xi32>
    %gather3A_223 = tpu.vector_load_idx %arg9[%add3A_222] : memref<784xf32, #tpu.memory_space<vmem>>[vector<16xi32>], vector<16xf32>,
    %add3A_224 = arith.addf %add3A_219, %gather3A_223 : vector<16xf32>
    %add3A_225 = arith.constant 212 : i32
    %add3A_226 = vector.broadcast %add3A_225 : i32 to vector<16xi32>
    %add3A_227 = arith.addi %iota3A_125, %add3A_226 : vector<16xi32>
    %gather3A_228 = tpu.vector_load_idx %arg9[%add3A_227] : memref<784xf32, #tpu.memory_space<vmem>>[vector<16xi32>], vector<16xf32>,
    %add3A_229 = arith.addf %add3A_224, %gather3A_228 : vector<16xf32>
    %add3A_230 = arith.constant 261 : i32
    %add3A_231 = vector.broadcast %add3A_230 : i32 to vector<16xi32>
    %add3A_232 = arith.addi %iota3A_125, %add3A_231 : vector<16xi32>
    %gather3A_233 = tpu.vector_load_idx %arg9[%add3A_232] : memref<784xf32, #tpu.memory_space<vmem>>[vector<16xi32>], vector<16xf32>,
    %add3A_234 = arith.addf %add3A_229, %gather3A_233 : vector<16xf32>
    %add3A_235 = arith.constant 310 : i32
    %add3A_236 = vector.broadcast %add3A_235 : i32 to vector<16xi32>
    %add3A_237 = arith.addi %iota3A_125, %add3A_236 : vector<16xi32>
    %gather3A_238 = tpu.vector_load_idx %arg9[%add3A_237] : memref<784xf32, #tpu.memory_space<vmem>>[vector<16xi32>], vector<16xf32>,
    %add3A_239 = arith.addf %add3A_234, %gather3A_238 : vector<16xf32>
    %add3A_240 = arith.constant 359 : i32
    %add3A_241 = vector.broadcast %add3A_240 : i32 to vector<16xi32>
    %add3A_242 = arith.addi %iota3A_125, %add3A_241 : vector<16xi32>
    %gather3A_243 = tpu.vector_load_idx %arg9[%add3A_242] : memref<784xf32, #tpu.memory_space<vmem>>[vector<16xi32>], vector<16xf32>,
    %add3A_244 = arith.addf %add3A_239, %gather3A_243 : vector<16xf32>
    %add3A_245 = arith.constant 408 : i32
    %add3A_246 = vector.broadcast %add3A_245 : i32 to vector<16xi32>
    %add3A_247 = arith.addi %iota3A_125, %add3A_246 : vector<16xi32>
    %gather3A_248 = tpu.vector_load_idx %arg9[%add3A_247] : memref<784xf32, #tpu.memory_space<vmem>>[vector<16xi32>], vector<16xf32>,
    %add3A_249 = arith.addf %add3A_244, %gather3A_248 : vector<16xf32>
    %add3A_250 = arith.constant 457 : i32
    %add3A_251 = vector.broadcast %add3A_250 : i32 to vector<16xi32>
    %add3A_252 = arith.addi %iota3A_125, %add3A_251 : vector<16xi32>
    %gather3A_253 = tpu.vector_load_idx %arg9[%add3A_252] : memref<784xf32, #tpu.memory_space<vmem>>[vector<16xi32>], vector<16xf32>,
    %add3A_254 = arith.addf %add3A_249, %gather3A_253 : vector<16xf32>
    %add3A_255 = arith.constant 506 : i32
    %add3A_256 = vector.broadcast %add3A_255 : i32 to vector<16xi32>
    %add3A_257 = arith.addi %iota3A_125, %add3A_256 : vector<16xi32>
    %gather3A_258 = tpu.vector_load_idx %arg9[%add3A_257] : memref<784xf32, #tpu.memory_space<vmem>>[vector<16xi32>], vector<16xf32>,
    %add3A_259 = arith.addf %add3A_254, %gather3A_258 : vector<16xf32>
    %add3A_260 = arith.constant 555 : i32
    %add3A_261 = vector.broadcast %add3A_260 : i32 to vector<16xi32>
    %add3A_262 = arith.addi %iota3A_125, %add3A_261 : vector<16xi32>
    %gather3A_263 = tpu.vector_load_idx %arg9[%add3A_262] : memref<784xf32, #tpu.memory_space<vmem>>[vector<16xi32>], vector<16xf32>,
    %add3A_264 = arith.addf %add3A_259, %gather3A_263 : vector<16xf32>
    %add3A_265 = arith.constant 604 : i32
    %add3A_266 = vector.broadcast %add3A_265 : i32 to vector<16xi32>
    %add3A_267 = arith.addi %iota3A_125, %add3A_266 : vector<16xi32>
    %gather3A_268 = tpu.vector_load_idx %arg9[%add3A_267] : memref<784xf32, #tpu.memory_space<vmem>>[vector<16xi32>], vector<16xf32>,
    %add3A_269 = arith.addf %add3A_264, %gather3A_268 : vector<16xf32>
    %add3A_270 = arith.constant 653 : i32
    %add3A_271 = vector.broadcast %add3A_270 : i32 to vector<16xi32>
    %add3A_272 = arith.addi %iota3A_125, %add3A_271 : vector<16xi32>
    %gather3A_273 = tpu.vector_load_idx %arg9[%add3A_272] : memref<784xf32, #tpu.memory_space<vmem>>[vector<16xi32>], vector<16xf32>,
    %add3A_274 = arith.addf %add3A_269, %gather3A_273 : vector<16xf32>
    %add3A_275 = arith.constant 702 : i32
    %add3A_276 = vector.broadcast %add3A_275 : i32 to vector<16xi32>
    %add3A_277 = arith.addi %iota3A_125, %add3A_276 : vector<16xi32>
    %gather3A_278 = tpu.vector_load_idx %arg9[%add3A_277] : memref<784xf32, #tpu.memory_space<vmem>>[vector<16xi32>], vector<16xf32>,
    %add3A_279 = arith.addf %add3A_274, %gather3A_278 : vector<16xf32>
    %add3A_280 = arith.constant 751 : i32
    %add3A_281 = vector.broadcast %add3A_280 : i32 to vector<16xi32>
    %add3A_282 = arith.addi %iota3A_125, %add3A_281 : vector<16xi32>
    %gather3A_283 = tpu.vector_load_idx %arg9[%add3A_282] : memref<784xf32, #tpu.memory_space<vmem>>[vector<16xi32>], vector<16xf32>,
    %add3A_284 = arith.addf %add3A_279, %gather3A_283 : vector<16xf32>
    %swap3A_285 = arith.constant 16 : index
    %swap3A_286 = tpu.vector_load %arg10[%swap3A_285] {strides = array<i32>} : memref<48xf32, #tpu.memory_space<vmem>>, vector<16xf32>,
    tpu.vector_store %arg10[%swap3A_285], %add3A_284 {strides = array<i32>} : memref<48xf32, #tpu.memory_space<vmem>>, vector<16xf32>,
    %add3A_287 = arith.constant 32 : i32
    %add3A_288 = vector.broadcast %add3A_287 : i32 to vector<16xi32>
    %add3A_289 = arith.addi %iota3A_125, %add3A_288 : vector<16xi32>
    %gather3A_290 = tpu.vector_load_idx %arg9[%add3A_289] : memref<784xf32, #tpu.memory_space<vmem>>[vector<16xi32>], vector<16xf32>,
    %add3A_291 = arith.constant 81 : i32
    %add3A_292 = vector.broadcast %add3A_291 : i32 to vector<16xi32>
    %add3A_293 = arith.addi %iota3A_125, %add3A_292 : vector<16xi32>
    %gather3A_294 = tpu.vector_load_idx %arg9[%add3A_293] : memref<784xf32, #tpu.memory_space<vmem>>[vector<16xi32>], vector<16xf32>,
    %add3A_295 = arith.addf %gather3A_290, %gather3A_294 : vector<16xf32>
    %add3A_296 = arith.constant 130 : i32
    %add3A_297 = vector.broadcast %add3A_296 : i32 to vector<16xi32>
    %add3A_298 = arith.addi %iota3A_125, %add3A_297 : vector<16xi32>
    %gather3A_299 = tpu.vector_load_idx %arg9[%add3A_298] : memref<784xf32, #tpu.memory_space<vmem>>[vector<16xi32>], vector<16xf32>,
    %add3A_300 = arith.addf %add3A_295, %gather3A_299 : vector<16xf32>
    %add3A_301 = arith.constant 179 : i32
    %add3A_302 = vector.broadcast %add3A_301 : i32 to vector<16xi32>
    %add3A_303 = arith.addi %iota3A_125, %add3A_302 : vector<16xi32>
    %gather3A_304 = tpu.vector_load_idx %arg9[%add3A_303] : memref<784xf32, #tpu.memory_space<vmem>>[vector<16xi32>], vector<16xf32>,
    %add3A_305 = arith.addf %add3A_300, %gather3A_304 : vector<16xf32>
    %add3A_306 = arith.constant 228 : i32
    %add3A_307 = vector.broadcast %add3A_306 : i32 to vector<16xi32>
    %add3A_308 = arith.addi %iota3A_125, %add3A_307 : vector<16xi32>
    %gather3A_309 = tpu.vector_load_idx %arg9[%add3A_308] : memref<784xf32, #tpu.memory_space<vmem>>[vector<16xi32>], vector<16xf32>,
    %add3A_310 = arith.addf %add3A_305, %gather3A_309 : vector<16xf32>
    %add3A_311 = arith.constant 277 : i32
    %add3A_312 = vector.broadcast %add3A_311 : i32 to vector<16xi32>
    %add3A_313 = arith.addi %iota3A_125, %add3A_312 : vector<16xi32>
    %gather3A_314 = tpu.vector_load_idx %arg9[%add3A_313] : memref<784xf32, #tpu.memory_space<vmem>>[vector<16xi32>], vector<16xf32>,
    %add3A_315 = arith.addf %add3A_310, %gather3A_314 : vector<16xf32>
    %add3A_316 = arith.constant 326 : i32
    %add3A_317 = vector.broadcast %add3A_316 : i32 to vector<16xi32>
    %add3A_318 = arith.addi %iota3A_125, %add3A_317 : vector<16xi32>
    %gather3A_319 = tpu.vector_load_idx %arg9[%add3A_318] : memref<784xf32, #tpu.memory_space<vmem>>[vector<16xi32>], vector<16xf32>,
    %add3A_320 = arith.addf %add3A_315, %gather3A_319 : vector<16xf32>
    %add3A_321 = arith.constant 375 : i32
    %add3A_322 = vector.broadcast %add3A_321 : i32 to vector<16xi32>
    %add3A_323 = arith.addi %iota3A_125, %add3A_322 : vector<16xi32>
    %gather3A_324 = tpu.vector_load_idx %arg9[%add3A_323] : memref<784xf32, #tpu.memory_space<vmem>>[vector<16xi32>], vector<16xf32>,
    %add3A_325 = arith.addf %add3A_320, %gather3A_324 : vector<16xf32>
    %add3A_326 = arith.constant 424 : i32
    %add3A_327 = vector.broadcast %add3A_326 : i32 to vector<16xi32>
    %add3A_328 = arith.addi %iota3A_125, %add3A_327 : vector<16xi32>
    %gather3A_329 = tpu.vector_load_idx %arg9[%add3A_328] : memref<784xf32, #tpu.memory_space<vmem>>[vector<16xi32>], vector<16xf32>,
    %add3A_330 = arith.addf %add3A_325, %gather3A_329 : vector<16xf32>
    %add3A_331 = arith.constant 473 : i32
    %add3A_332 = vector.broadcast %add3A_331 : i32 to vector<16xi32>
    %add3A_333 = arith.addi %iota3A_125, %add3A_332 : vector<16xi32>
    %gather3A_334 = tpu.vector_load_idx %arg9[%add3A_333] : memref<784xf32, #tpu.memory_space<vmem>>[vector<16xi32>], vector<16xf32>,
    %add3A_335 = arith.addf %add3A_330, %gather3A_334 : vector<16xf32>
    %add3A_336 = arith.constant 522 : i32
    %add3A_337 = vector.broadcast %add3A_336 : i32 to vector<16xi32>
    %add3A_338 = arith.addi %iota3A_125, %add3A_337 : vector<16xi32>
    %gather3A_339 = tpu.vector_load_idx %arg9[%add3A_338] : memref<784xf32, #tpu.memory_space<vmem>>[vector<16xi32>], vector<16xf32>,
    %add3A_340 = arith.addf %add3A_335, %gather3A_339 : vector<16xf32>
    %add3A_341 = arith.constant 571 : i32
    %add3A_342 = vector.broadcast %add3A_341 : i32 to vector<16xi32>
    %add3A_343 = arith.addi %iota3A_125, %add3A_342 : vector<16xi32>
    %gather3A_344 = tpu.vector_load_idx %arg9[%add3A_343] : memref<784xf32, #tpu.memory_space<vmem>>[vector<16xi32>], vector<16xf32>,
    %add3A_345 = arith.addf %add3A_340, %gather3A_344 : vector<16xf32>
    %add3A_346 = arith.constant 620 : i32
    %add3A_347 = vector.broadcast %add3A_346 : i32 to vector<16xi32>
    %add3A_348 = arith.addi %iota3A_125, %add3A_347 : vector<16xi32>
    %gather3A_349 = tpu.vector_load_idx %arg9[%add3A_348] : memref<784xf32, #tpu.memory_space<vmem>>[vector<16xi32>], vector<16xf32>,
    %add3A_350 = arith.addf %add3A_345, %gather3A_349 : vector<16xf32>
    %add3A_351 = arith.constant 669 : i32
    %add3A_352 = vector.broadcast %add3A_351 : i32 to vector<16xi32>
    %add3A_353 = arith.addi %iota3A_125, %add3A_352 : vector<16xi32>
    %gather3A_354 = tpu.vector_load_idx %arg9[%add3A_353] : memref<784xf32, #tpu.memory_space<vmem>>[vector<16xi32>], vector<16xf32>,
    %add3A_355 = arith.addf %add3A_350, %gather3A_354 : vector<16xf32>
    %add3A_356 = arith.constant 718 : i32
    %add3A_357 = vector.broadcast %add3A_356 : i32 to vector<16xi32>
    %add3A_358 = arith.addi %iota3A_125, %add3A_357 : vector<16xi32>
    %gather3A_359 = tpu.vector_load_idx %arg9[%add3A_358] : memref<784xf32, #tpu.memory_space<vmem>>[vector<16xi32>], vector<16xf32>,
    %add3A_360 = arith.addf %add3A_355, %gather3A_359 : vector<16xf32>
    %add3A_361 = arith.constant 767 : i32
    %add3A_362 = vector.broadcast %add3A_361 : i32 to vector<16xi32>
    %add3A_363 = arith.addi %iota3A_125, %add3A_362 : vector<16xi32>
    %gather3A_364 = tpu.vector_load_idx %arg9[%add3A_363] : memref<784xf32, #tpu.memory_space<vmem>>[vector<16xi32>], vector<16xf32>,
    %add3A_365 = arith.addf %add3A_360, %gather3A_364 : vector<16xf32>
    %swap3A_366 = arith.constant 32 : index
    %swap3A_367 = tpu.vector_load %arg10[%swap3A_366] {strides = array<i32>} : memref<48xf32, #tpu.memory_space<vmem>>, vector<16xf32>,
    tpu.vector_store %arg10[%swap3A_366], %add3A_365 {strides = array<i32>} : memref<48xf32, #tpu.memory_space<vmem>>, vector<16xf32>,
    "tpu.region"() ({
      %run_scoped3A = tpu.sem_alloc : memref<!tpu.dma_semaphore, #tpu.memory_space<semaphore_mem>>
      %dma_start3A_368 = arith.constant 0 : i32
      %dma_start3A_369 = tpu.memref_slice %arg5[%add3A, %dma_start3A_368] : memref<32x48xf32, #tpu.memory_space<hbm>> -> memref<1x48xf32, #tpu.memory_space<hbm>>
      %dma_start3A_370 = tpu.memref_squeeze %dma_start3A_369 : memref<1x48xf32, #tpu.memory_space<hbm>> -> memref<48xf32, #tpu.memory_space<hbm>>
      %dma_start3A_371 = arith.constant 0 : i32
      %dma_start3A_372 = tpu.memref_slice %arg5[%add3A, %dma_start3A_371] : memref<32x48xf32, #tpu.memory_space<hbm>> -> memref<1x48xf32, #tpu.memory_space<hbm>>
      %dma_start3A_373 = tpu.memref_squeeze %dma_start3A_372 : memref<1x48xf32, #tpu.memory_space<hbm>> -> memref<48xf32, #tpu.memory_space<hbm>>
      tpu.enqueue_dma source(%arg10 : memref<48xf32, #tpu.memory_space<vmem>>) target(%dma_start3A_373 : memref<48xf32, #tpu.memory_space<hbm>>) target_semaphore(%run_scoped3A : memref<!tpu.dma_semaphore, #tpu.memory_space<semaphore_mem>>)
      %dma_wait3A_374 = arith.constant 0 : i32
      %dma_wait3A_375 = tpu.memref_slice %arg5[%add3A, %dma_wait3A_374] : memref<32x48xf32, #tpu.memory_space<hbm>> -> memref<1x48xf32, #tpu.memory_space<hbm>>
      %dma_wait3A_376 = tpu.memref_squeeze %dma_wait3A_375 : memref<1x48xf32, #tpu.memory_space<hbm>> -> memref<48xf32, #tpu.memory_space<hbm>>
      %dma_wait3A_377 = arith.constant 0 : i32
      %dma_wait3A_378 = tpu.memref_slice %arg5[%add3A, %dma_wait3A_377] : memref<32x48xf32, #tpu.memory_space<hbm>> -> memref<1x48xf32, #tpu.memory_space<hbm>>
      %dma_wait3A_379 = tpu.memref_squeeze %dma_wait3A_378 : memref<1x48xf32, #tpu.memory_space<hbm>> -> memref<48xf32, #tpu.memory_space<hbm>>
      tpu.wait_dma2 semaphore(%run_scoped3A : memref<!tpu.dma_semaphore, #tpu.memory_space<semaphore_mem>>) src(%arg10 : memref<48xf32, #tpu.memory_space<vmem>>) dst(%dma_wait3A_379 : memref<48xf32, #tpu.memory_space<hbm>>)
      tpu.yield
    }) : () -> ()
    return
  }
}

module attributes {stable_mosaic.version = 14 : i64} {
  func.func @_tc_body(%arg0: i32, %arg1: memref<16xf32, #tpu.memory_space<smem>>, %arg2: memref<96x64x512xf32, #tpu.memory_space<vmem>>, %arg3: memref<64x512xi32, #tpu.memory_space<vmem>>, %arg4: memref<64x512xf32, #tpu.memory_space<vmem>>, %arg5: memref<64x512xf32, #tpu.memory_space<vmem>>, %arg6: memref<64x512xi32, #tpu.memory_space<vmem>>) attributes {dimension_semantics = [#tpu.dimension_semantics<arbitrary>], iteration_bounds = array<i64: 4>, scalar_prefetch = 0 : i64, scratch_operands = 0 : i64, tpu.core_type = #tpu.core_type<tc>, window_params = [{transform_indices = @transform_0, window_bounds = array<i64: 16>}, {transform_indices = @transform_1, window_bounds = array<i64: 96, 64, 512>}, {transform_indices = @transform_2, window_bounds = array<i64: 64, 512>}, {transform_indices = @transform_3, window_bounds = array<i64: 64, 512>}, {transform_indices = @transform_4, window_bounds = array<i64: 64, 512>}, {transform_indices = @transform_5, window_bounds = array<i64: 64, 512>}]} {
    %get3A = arith.constant 0 : index
    %get3A_0 = arith.constant 0 : index
    %get3A_1 = arith.constant 0 : index
    %get3A_2 = vector.load %arg2[%get3A, %get3A_0, %get3A_1] : memref<96x64x512xf32, #tpu.memory_space<vmem>>, vector<96x64x512xf32>
    %reduce_max3A = arith.constant dense<0xFF800000> : vector<64x512xf32>
    %reduce_max3A_3 = vector.multi_reduction <maximumf>, %get3A_2, %reduce_max3A [0] : vector<96x64x512xf32> to vector<64x512xf32>
    %argmax3A = tpu.reduce_index %get3A_2 {axis = 0 : i32, kind = #tpu.reduction_kind<arg_max>} : vector<96x64x512xf32> -> vector<64x512xi32>
    %get3A_4 = arith.constant 0 : index
    %get3A_5 = arith.constant 0 : index
    %get3A_6 = vector.load %arg3[%get3A_4, %get3A_5] : memref<64x512xi32, #tpu.memory_space<vmem>>, vector<64x512xi32>
    %eq3A = arith.cmpi eq, %argmax3A, %get3A_6 : vector<64x512xi32>
    %convert_element_type3A = arith.extui %eq3A : vector<64x512xi1> to vector<64x512xi32>
    %convert_element_type3A_7 = arith.sitofp %convert_element_type3A : vector<64x512xi32> to vector<64x512xf32>
    %broadcast_in_dim3A = arith.constant 0 : i32
    %broadcast_in_dim3A_8 = vector.broadcast %broadcast_in_dim3A : i32 to vector<64x512xi32>
    %get3A_9 = arith.constant 0 : index
    %get3A_10 = memref.load %arg1[%get3A_9] : memref<16xf32, #tpu.memory_space<smem>>
    %gt3A = vector.broadcast %get3A_10 : f32 to vector<64x512xf32>
    %gt3A_11 = arith.cmpf ogt, %reduce_max3A_3, %gt3A : vector<64x512xf32>
    %convert_element_type3A_12 = arith.extui %gt3A_11 : vector<64x512xi1> to vector<64x512xi32>
    %add3A = arith.addi %broadcast_in_dim3A_8, %convert_element_type3A_12 : vector<64x512xi32>
    %get3A_13 = arith.constant 1 : index
    %get3A_14 = memref.load %arg1[%get3A_13] : memref<16xf32, #tpu.memory_space<smem>>
    %gt3A_15 = vector.broadcast %get3A_14 : f32 to vector<64x512xf32>
    %gt3A_16 = arith.cmpf ogt, %reduce_max3A_3, %gt3A_15 : vector<64x512xf32>
    %convert_element_type3A_17 = arith.extui %gt3A_16 : vector<64x512xi1> to vector<64x512xi32>
    %add3A_18 = arith.addi %add3A, %convert_element_type3A_17 : vector<64x512xi32>
    %get3A_19 = arith.constant 2 : index
    %get3A_20 = memref.load %arg1[%get3A_19] : memref<16xf32, #tpu.memory_space<smem>>
    %gt3A_21 = vector.broadcast %get3A_20 : f32 to vector<64x512xf32>
    %gt3A_22 = arith.cmpf ogt, %reduce_max3A_3, %gt3A_21 : vector<64x512xf32>
    %convert_element_type3A_23 = arith.extui %gt3A_22 : vector<64x512xi1> to vector<64x512xi32>
    %add3A_24 = arith.addi %add3A_18, %convert_element_type3A_23 : vector<64x512xi32>
    %get3A_25 = arith.constant 3 : index
    %get3A_26 = memref.load %arg1[%get3A_25] : memref<16xf32, #tpu.memory_space<smem>>
    %gt3A_27 = vector.broadcast %get3A_26 : f32 to vector<64x512xf32>
    %gt3A_28 = arith.cmpf ogt, %reduce_max3A_3, %gt3A_27 : vector<64x512xf32>
    %convert_element_type3A_29 = arith.extui %gt3A_28 : vector<64x512xi1> to vector<64x512xi32>
    %add3A_30 = arith.addi %add3A_24, %convert_element_type3A_29 : vector<64x512xi32>
    %get3A_31 = arith.constant 4 : index
    %get3A_32 = memref.load %arg1[%get3A_31] : memref<16xf32, #tpu.memory_space<smem>>
    %gt3A_33 = vector.broadcast %get3A_32 : f32 to vector<64x512xf32>
    %gt3A_34 = arith.cmpf ogt, %reduce_max3A_3, %gt3A_33 : vector<64x512xf32>
    %convert_element_type3A_35 = arith.extui %gt3A_34 : vector<64x512xi1> to vector<64x512xi32>
    %add3A_36 = arith.addi %add3A_30, %convert_element_type3A_35 : vector<64x512xi32>
    %get3A_37 = arith.constant 5 : index
    %get3A_38 = memref.load %arg1[%get3A_37] : memref<16xf32, #tpu.memory_space<smem>>
    %gt3A_39 = vector.broadcast %get3A_38 : f32 to vector<64x512xf32>
    %gt3A_40 = arith.cmpf ogt, %reduce_max3A_3, %gt3A_39 : vector<64x512xf32>
    %convert_element_type3A_41 = arith.extui %gt3A_40 : vector<64x512xi1> to vector<64x512xi32>
    %add3A_42 = arith.addi %add3A_36, %convert_element_type3A_41 : vector<64x512xi32>
    %get3A_43 = arith.constant 6 : index
    %get3A_44 = memref.load %arg1[%get3A_43] : memref<16xf32, #tpu.memory_space<smem>>
    %gt3A_45 = vector.broadcast %get3A_44 : f32 to vector<64x512xf32>
    %gt3A_46 = arith.cmpf ogt, %reduce_max3A_3, %gt3A_45 : vector<64x512xf32>
    %convert_element_type3A_47 = arith.extui %gt3A_46 : vector<64x512xi1> to vector<64x512xi32>
    %add3A_48 = arith.addi %add3A_42, %convert_element_type3A_47 : vector<64x512xi32>
    %get3A_49 = arith.constant 7 : index
    %get3A_50 = memref.load %arg1[%get3A_49] : memref<16xf32, #tpu.memory_space<smem>>
    %gt3A_51 = vector.broadcast %get3A_50 : f32 to vector<64x512xf32>
    %gt3A_52 = arith.cmpf ogt, %reduce_max3A_3, %gt3A_51 : vector<64x512xf32>
    %convert_element_type3A_53 = arith.extui %gt3A_52 : vector<64x512xi1> to vector<64x512xi32>
    %add3A_54 = arith.addi %add3A_48, %convert_element_type3A_53 : vector<64x512xi32>
    %get3A_55 = arith.constant 8 : index
    %get3A_56 = memref.load %arg1[%get3A_55] : memref<16xf32, #tpu.memory_space<smem>>
    %gt3A_57 = vector.broadcast %get3A_56 : f32 to vector<64x512xf32>
    %gt3A_58 = arith.cmpf ogt, %reduce_max3A_3, %gt3A_57 : vector<64x512xf32>
    %convert_element_type3A_59 = arith.extui %gt3A_58 : vector<64x512xi1> to vector<64x512xi32>
    %add3A_60 = arith.addi %add3A_54, %convert_element_type3A_59 : vector<64x512xi32>
    %get3A_61 = arith.constant 9 : index
    %get3A_62 = memref.load %arg1[%get3A_61] : memref<16xf32, #tpu.memory_space<smem>>
    %gt3A_63 = vector.broadcast %get3A_62 : f32 to vector<64x512xf32>
    %gt3A_64 = arith.cmpf ogt, %reduce_max3A_3, %gt3A_63 : vector<64x512xf32>
    %convert_element_type3A_65 = arith.extui %gt3A_64 : vector<64x512xi1> to vector<64x512xi32>
    %add3A_66 = arith.addi %add3A_60, %convert_element_type3A_65 : vector<64x512xi32>
    %get3A_67 = arith.constant 10 : index
    %get3A_68 = memref.load %arg1[%get3A_67] : memref<16xf32, #tpu.memory_space<smem>>
    %gt3A_69 = vector.broadcast %get3A_68 : f32 to vector<64x512xf32>
    %gt3A_70 = arith.cmpf ogt, %reduce_max3A_3, %gt3A_69 : vector<64x512xf32>
    %convert_element_type3A_71 = arith.extui %gt3A_70 : vector<64x512xi1> to vector<64x512xi32>
    %add3A_72 = arith.addi %add3A_66, %convert_element_type3A_71 : vector<64x512xi32>
    %get3A_73 = arith.constant 11 : index
    %get3A_74 = memref.load %arg1[%get3A_73] : memref<16xf32, #tpu.memory_space<smem>>
    %gt3A_75 = vector.broadcast %get3A_74 : f32 to vector<64x512xf32>
    %gt3A_76 = arith.cmpf ogt, %reduce_max3A_3, %gt3A_75 : vector<64x512xf32>
    %convert_element_type3A_77 = arith.extui %gt3A_76 : vector<64x512xi1> to vector<64x512xi32>
    %add3A_78 = arith.addi %add3A_72, %convert_element_type3A_77 : vector<64x512xi32>
    %get3A_79 = arith.constant 12 : index
    %get3A_80 = memref.load %arg1[%get3A_79] : memref<16xf32, #tpu.memory_space<smem>>
    %gt3A_81 = vector.broadcast %get3A_80 : f32 to vector<64x512xf32>
    %gt3A_82 = arith.cmpf ogt, %reduce_max3A_3, %gt3A_81 : vector<64x512xf32>
    %convert_element_type3A_83 = arith.extui %gt3A_82 : vector<64x512xi1> to vector<64x512xi32>
    %add3A_84 = arith.addi %add3A_78, %convert_element_type3A_83 : vector<64x512xi32>
    %get3A_85 = arith.constant 13 : index
    %get3A_86 = memref.load %arg1[%get3A_85] : memref<16xf32, #tpu.memory_space<smem>>
    %gt3A_87 = vector.broadcast %get3A_86 : f32 to vector<64x512xf32>
    %gt3A_88 = arith.cmpf ogt, %reduce_max3A_3, %gt3A_87 : vector<64x512xf32>
    %convert_element_type3A_89 = arith.extui %gt3A_88 : vector<64x512xi1> to vector<64x512xi32>
    %add3A_90 = arith.addi %add3A_84, %convert_element_type3A_89 : vector<64x512xi32>
    %get3A_91 = arith.constant 14 : index
    %get3A_92 = memref.load %arg1[%get3A_91] : memref<16xf32, #tpu.memory_space<smem>>
    %gt3A_93 = vector.broadcast %get3A_92 : f32 to vector<64x512xf32>
    %gt3A_94 = arith.cmpf ogt, %reduce_max3A_3, %gt3A_93 : vector<64x512xf32>
    %convert_element_type3A_95 = arith.extui %gt3A_94 : vector<64x512xi1> to vector<64x512xi32>
    %add3A_96 = arith.addi %add3A_90, %convert_element_type3A_95 : vector<64x512xi32>
    %swap3A = arith.constant 0 : index
    %swap3A_97 = arith.constant 0 : index
    %swap3A_98 = vector.load %arg4[%swap3A, %swap3A_97] : memref<64x512xf32, #tpu.memory_space<vmem>>, vector<64x512xf32>
    tpu.vector_store %arg4[%swap3A, %swap3A_97], %reduce_max3A_3 {strides = array<i32>} : memref<64x512xf32, #tpu.memory_space<vmem>>, vector<64x512xf32>,
    %swap3A_99 = arith.constant 0 : index
    %swap3A_100 = arith.constant 0 : index
    %swap3A_101 = vector.load %arg5[%swap3A_99, %swap3A_100] : memref<64x512xf32, #tpu.memory_space<vmem>>, vector<64x512xf32>
    tpu.vector_store %arg5[%swap3A_99, %swap3A_100], %convert_element_type3A_7 {strides = array<i32>} : memref<64x512xf32, #tpu.memory_space<vmem>>, vector<64x512xf32>,
    %swap3A_102 = arith.constant 0 : index
    %swap3A_103 = arith.constant 0 : index
    %swap3A_104 = vector.load %arg6[%swap3A_102, %swap3A_103] : memref<64x512xi32, #tpu.memory_space<vmem>>, vector<64x512xi32>
    tpu.vector_store %arg6[%swap3A_102, %swap3A_103], %add3A_96 {strides = array<i32>} : memref<64x512xi32, #tpu.memory_space<vmem>>, vector<64x512xi32>,
    return
  }
  func.func @transform_0(%arg0: i32) -> i32 {
    %c0_i32 = arith.constant 0 : i32
    %c0_i32_0 = arith.constant 0 : i32
    return %c0_i32 : i32
  }
  func.func @transform_1(%arg0: i32) -> (i32, i32, i32) {
    %add3A = arith.constant 4 : i32
    %add3A_0 = arith.addi %arg0, %add3A : i32
    %c0_i32 = arith.constant 0 : i32
    %c0_i32_1 = arith.constant 0 : i32
    %c0_i32_2 = arith.constant 0 : i32
    return %c0_i32, %add3A_0, %c0_i32_1 : i32, i32, i32
  }
  func.func @transform_2(%arg0: i32) -> (i32, i32) {
    %c0_i32 = arith.constant 0 : i32
    %c0_i32_0 = arith.constant 0 : i32
    return %arg0, %c0_i32 : i32, i32
  }
  func.func @transform_3(%arg0: i32) -> (i32, i32) {
    %c0_i32 = arith.constant 0 : i32
    %c0_i32_0 = arith.constant 0 : i32
    return %arg0, %c0_i32 : i32, i32
  }
  func.func @transform_4(%arg0: i32) -> (i32, i32) {
    %c0_i32 = arith.constant 0 : i32
    %c0_i32_0 = arith.constant 0 : i32
    return %arg0, %c0_i32 : i32, i32
  }
  func.func @transform_5(%arg0: i32) -> (i32, i32) {
    %c0_i32 = arith.constant 0 : i32
    %c0_i32_0 = arith.constant 0 : i32
    return %arg0, %c0_i32 : i32, i32
  }
}

module attributes {stable_mosaic.version = 14 : i64} {
  func.func @_tc_body(%arg0: i32, %arg1: memref<16xf32, #tpu.memory_space<smem>>, %arg2: memref<96x64x512xf32, #tpu.memory_space<vmem>>, %arg3: memref<64x512xi32, #tpu.memory_space<vmem>>, %arg4: memref<64x512xf32, #tpu.memory_space<vmem>>, %arg5: memref<64x512xf32, #tpu.memory_space<vmem>>, %arg6: memref<64x512xi32, #tpu.memory_space<vmem>>) attributes {dimension_semantics = [#tpu.dimension_semantics<arbitrary>], iteration_bounds = array<i64: 4>, scalar_prefetch = 0 : i64, scratch_operands = 0 : i64, tpu.core_type = #tpu.core_type<tc>, window_params = [{transform_indices = @transform_0, window_bounds = array<i64: 16>}, {transform_indices = @transform_1, window_bounds = array<i64: 96, 64, 512>}, {transform_indices = @transform_2, window_bounds = array<i64: 64, 512>}, {transform_indices = @transform_3, window_bounds = array<i64: 64, 512>}, {transform_indices = @transform_4, window_bounds = array<i64: 64, 512>}, {transform_indices = @transform_5, window_bounds = array<i64: 64, 512>}]} {
    %get3A = arith.constant 0 : index
    %get3A_0 = arith.constant 0 : index
    %get3A_1 = arith.constant 0 : index
    %get3A_2 = vector.load %arg2[%get3A, %get3A_0, %get3A_1] : memref<96x64x512xf32, #tpu.memory_space<vmem>>, vector<96x64x512xf32>
    %reduce_max3A = arith.constant dense<0xFF800000> : vector<64x512xf32>
    %reduce_max3A_3 = vector.multi_reduction <maximumf>, %get3A_2, %reduce_max3A [0] : vector<96x64x512xf32> to vector<64x512xf32>
    %argmax3A = tpu.reduce_index %get3A_2 {axis = 0 : i32, kind = #tpu.reduction_kind<arg_max>} : vector<96x64x512xf32> -> vector<64x512xi32>
    %get3A_4 = arith.constant 0 : index
    %get3A_5 = arith.constant 0 : index
    %get3A_6 = vector.load %arg3[%get3A_4, %get3A_5] : memref<64x512xi32, #tpu.memory_space<vmem>>, vector<64x512xi32>
    %eq3A = arith.cmpi eq, %argmax3A, %get3A_6 : vector<64x512xi32>
    %convert_element_type3A = arith.extui %eq3A : vector<64x512xi1> to vector<64x512xi32>
    %convert_element_type3A_7 = arith.sitofp %convert_element_type3A : vector<64x512xi32> to vector<64x512xf32>
    %broadcast_in_dim3A = arith.constant 0 : i32
    %broadcast_in_dim3A_8 = vector.broadcast %broadcast_in_dim3A : i32 to vector<64x512xi32>
    %get3A_9 = arith.constant 0 : index
    %get3A_10 = memref.load %arg1[%get3A_9] : memref<16xf32, #tpu.memory_space<smem>>
    %gt3A = vector.broadcast %get3A_10 : f32 to vector<64x512xf32>
    %gt3A_11 = arith.cmpf ogt, %reduce_max3A_3, %gt3A : vector<64x512xf32>
    %convert_element_type3A_12 = arith.extui %gt3A_11 : vector<64x512xi1> to vector<64x512xi32>
    %add3A = arith.addi %broadcast_in_dim3A_8, %convert_element_type3A_12 : vector<64x512xi32>
    %get3A_13 = arith.constant 1 : index
    %get3A_14 = memref.load %arg1[%get3A_13] : memref<16xf32, #tpu.memory_space<smem>>
    %gt3A_15 = vector.broadcast %get3A_14 : f32 to vector<64x512xf32>
    %gt3A_16 = arith.cmpf ogt, %reduce_max3A_3, %gt3A_15 : vector<64x512xf32>
    %convert_element_type3A_17 = arith.extui %gt3A_16 : vector<64x512xi1> to vector<64x512xi32>
    %add3A_18 = arith.addi %add3A, %convert_element_type3A_17 : vector<64x512xi32>
    %get3A_19 = arith.constant 2 : index
    %get3A_20 = memref.load %arg1[%get3A_19] : memref<16xf32, #tpu.memory_space<smem>>
    %gt3A_21 = vector.broadcast %get3A_20 : f32 to vector<64x512xf32>
    %gt3A_22 = arith.cmpf ogt, %reduce_max3A_3, %gt3A_21 : vector<64x512xf32>
    %convert_element_type3A_23 = arith.extui %gt3A_22 : vector<64x512xi1> to vector<64x512xi32>
    %add3A_24 = arith.addi %add3A_18, %convert_element_type3A_23 : vector<64x512xi32>
    %get3A_25 = arith.constant 3 : index
    %get3A_26 = memref.load %arg1[%get3A_25] : memref<16xf32, #tpu.memory_space<smem>>
    %gt3A_27 = vector.broadcast %get3A_26 : f32 to vector<64x512xf32>
    %gt3A_28 = arith.cmpf ogt, %reduce_max3A_3, %gt3A_27 : vector<64x512xf32>
    %convert_element_type3A_29 = arith.extui %gt3A_28 : vector<64x512xi1> to vector<64x512xi32>
    %add3A_30 = arith.addi %add3A_24, %convert_element_type3A_29 : vector<64x512xi32>
    %get3A_31 = arith.constant 4 : index
    %get3A_32 = memref.load %arg1[%get3A_31] : memref<16xf32, #tpu.memory_space<smem>>
    %gt3A_33 = vector.broadcast %get3A_32 : f32 to vector<64x512xf32>
    %gt3A_34 = arith.cmpf ogt, %reduce_max3A_3, %gt3A_33 : vector<64x512xf32>
    %convert_element_type3A_35 = arith.extui %gt3A_34 : vector<64x512xi1> to vector<64x512xi32>
    %add3A_36 = arith.addi %add3A_30, %convert_element_type3A_35 : vector<64x512xi32>
    %get3A_37 = arith.constant 5 : index
    %get3A_38 = memref.load %arg1[%get3A_37] : memref<16xf32, #tpu.memory_space<smem>>
    %gt3A_39 = vector.broadcast %get3A_38 : f32 to vector<64x512xf32>
    %gt3A_40 = arith.cmpf ogt, %reduce_max3A_3, %gt3A_39 : vector<64x512xf32>
    %convert_element_type3A_41 = arith.extui %gt3A_40 : vector<64x512xi1> to vector<64x512xi32>
    %add3A_42 = arith.addi %add3A_36, %convert_element_type3A_41 : vector<64x512xi32>
    %get3A_43 = arith.constant 6 : index
    %get3A_44 = memref.load %arg1[%get3A_43] : memref<16xf32, #tpu.memory_space<smem>>
    %gt3A_45 = vector.broadcast %get3A_44 : f32 to vector<64x512xf32>
    %gt3A_46 = arith.cmpf ogt, %reduce_max3A_3, %gt3A_45 : vector<64x512xf32>
    %convert_element_type3A_47 = arith.extui %gt3A_46 : vector<64x512xi1> to vector<64x512xi32>
    %add3A_48 = arith.addi %add3A_42, %convert_element_type3A_47 : vector<64x512xi32>
    %get3A_49 = arith.constant 7 : index
    %get3A_50 = memref.load %arg1[%get3A_49] : memref<16xf32, #tpu.memory_space<smem>>
    %gt3A_51 = vector.broadcast %get3A_50 : f32 to vector<64x512xf32>
    %gt3A_52 = arith.cmpf ogt, %reduce_max3A_3, %gt3A_51 : vector<64x512xf32>
    %convert_element_type3A_53 = arith.extui %gt3A_52 : vector<64x512xi1> to vector<64x512xi32>
    %add3A_54 = arith.addi %add3A_48, %convert_element_type3A_53 : vector<64x512xi32>
    %get3A_55 = arith.constant 8 : index
    %get3A_56 = memref.load %arg1[%get3A_55] : memref<16xf32, #tpu.memory_space<smem>>
    %gt3A_57 = vector.broadcast %get3A_56 : f32 to vector<64x512xf32>
    %gt3A_58 = arith.cmpf ogt, %reduce_max3A_3, %gt3A_57 : vector<64x512xf32>
    %convert_element_type3A_59 = arith.extui %gt3A_58 : vector<64x512xi1> to vector<64x512xi32>
    %add3A_60 = arith.addi %add3A_54, %convert_element_type3A_59 : vector<64x512xi32>
    %get3A_61 = arith.constant 9 : index
    %get3A_62 = memref.load %arg1[%get3A_61] : memref<16xf32, #tpu.memory_space<smem>>
    %gt3A_63 = vector.broadcast %get3A_62 : f32 to vector<64x512xf32>
    %gt3A_64 = arith.cmpf ogt, %reduce_max3A_3, %gt3A_63 : vector<64x512xf32>
    %convert_element_type3A_65 = arith.extui %gt3A_64 : vector<64x512xi1> to vector<64x512xi32>
    %add3A_66 = arith.addi %add3A_60, %convert_element_type3A_65 : vector<64x512xi32>
    %get3A_67 = arith.constant 10 : index
    %get3A_68 = memref.load %arg1[%get3A_67] : memref<16xf32, #tpu.memory_space<smem>>
    %gt3A_69 = vector.broadcast %get3A_68 : f32 to vector<64x512xf32>
    %gt3A_70 = arith.cmpf ogt, %reduce_max3A_3, %gt3A_69 : vector<64x512xf32>
    %convert_element_type3A_71 = arith.extui %gt3A_70 : vector<64x512xi1> to vector<64x512xi32>
    %add3A_72 = arith.addi %add3A_66, %convert_element_type3A_71 : vector<64x512xi32>
    %get3A_73 = arith.constant 11 : index
    %get3A_74 = memref.load %arg1[%get3A_73] : memref<16xf32, #tpu.memory_space<smem>>
    %gt3A_75 = vector.broadcast %get3A_74 : f32 to vector<64x512xf32>
    %gt3A_76 = arith.cmpf ogt, %reduce_max3A_3, %gt3A_75 : vector<64x512xf32>
    %convert_element_type3A_77 = arith.extui %gt3A_76 : vector<64x512xi1> to vector<64x512xi32>
    %add3A_78 = arith.addi %add3A_72, %convert_element_type3A_77 : vector<64x512xi32>
    %get3A_79 = arith.constant 12 : index
    %get3A_80 = memref.load %arg1[%get3A_79] : memref<16xf32, #tpu.memory_space<smem>>
    %gt3A_81 = vector.broadcast %get3A_80 : f32 to vector<64x512xf32>
    %gt3A_82 = arith.cmpf ogt, %reduce_max3A_3, %gt3A_81 : vector<64x512xf32>
    %convert_element_type3A_83 = arith.extui %gt3A_82 : vector<64x512xi1> to vector<64x512xi32>
    %add3A_84 = arith.addi %add3A_78, %convert_element_type3A_83 : vector<64x512xi32>
    %get3A_85 = arith.constant 13 : index
    %get3A_86 = memref.load %arg1[%get3A_85] : memref<16xf32, #tpu.memory_space<smem>>
    %gt3A_87 = vector.broadcast %get3A_86 : f32 to vector<64x512xf32>
    %gt3A_88 = arith.cmpf ogt, %reduce_max3A_3, %gt3A_87 : vector<64x512xf32>
    %convert_element_type3A_89 = arith.extui %gt3A_88 : vector<64x512xi1> to vector<64x512xi32>
    %add3A_90 = arith.addi %add3A_84, %convert_element_type3A_89 : vector<64x512xi32>
    %get3A_91 = arith.constant 14 : index
    %get3A_92 = memref.load %arg1[%get3A_91] : memref<16xf32, #tpu.memory_space<smem>>
    %gt3A_93 = vector.broadcast %get3A_92 : f32 to vector<64x512xf32>
    %gt3A_94 = arith.cmpf ogt, %reduce_max3A_3, %gt3A_93 : vector<64x512xf32>
    %convert_element_type3A_95 = arith.extui %gt3A_94 : vector<64x512xi1> to vector<64x512xi32>
    %add3A_96 = arith.addi %add3A_90, %convert_element_type3A_95 : vector<64x512xi32>
    %swap3A = arith.constant 0 : index
    %swap3A_97 = arith.constant 0 : index
    %swap3A_98 = vector.load %arg4[%swap3A, %swap3A_97] : memref<64x512xf32, #tpu.memory_space<vmem>>, vector<64x512xf32>
    tpu.vector_store %arg4[%swap3A, %swap3A_97], %reduce_max3A_3 {strides = array<i32>} : memref<64x512xf32, #tpu.memory_space<vmem>>, vector<64x512xf32>,
    %swap3A_99 = arith.constant 0 : index
    %swap3A_100 = arith.constant 0 : index
    %swap3A_101 = vector.load %arg5[%swap3A_99, %swap3A_100] : memref<64x512xf32, #tpu.memory_space<vmem>>, vector<64x512xf32>
    tpu.vector_store %arg5[%swap3A_99, %swap3A_100], %convert_element_type3A_7 {strides = array<i32>} : memref<64x512xf32, #tpu.memory_space<vmem>>, vector<64x512xf32>,
    %swap3A_102 = arith.constant 0 : index
    %swap3A_103 = arith.constant 0 : index
    %swap3A_104 = vector.load %arg6[%swap3A_102, %swap3A_103] : memref<64x512xi32, #tpu.memory_space<vmem>>, vector<64x512xi32>
    tpu.vector_store %arg6[%swap3A_102, %swap3A_103], %add3A_96 {strides = array<i32>} : memref<64x512xi32, #tpu.memory_space<vmem>>, vector<64x512xi32>,
    return
  }
  func.func @transform_0(%arg0: i32) -> i32 {
    %c0_i32 = arith.constant 0 : i32
    %c0_i32_0 = arith.constant 0 : i32
    return %c0_i32 : i32
  }
  func.func @transform_1(%arg0: i32) -> (i32, i32, i32) {
    %add3A = arith.constant 0 : i32
    %add3A_0 = arith.addi %arg0, %add3A : i32
    %c0_i32 = arith.constant 0 : i32
    %c0_i32_1 = arith.constant 0 : i32
    %c0_i32_2 = arith.constant 0 : i32
    return %c0_i32, %add3A_0, %c0_i32_1 : i32, i32, i32
  }
  func.func @transform_2(%arg0: i32) -> (i32, i32) {
    %c0_i32 = arith.constant 0 : i32
    %c0_i32_0 = arith.constant 0 : i32
    return %arg0, %c0_i32 : i32, i32
  }
  func.func @transform_3(%arg0: i32) -> (i32, i32) {
    %c0_i32 = arith.constant 0 : i32
    %c0_i32_0 = arith.constant 0 : i32
    return %arg0, %c0_i32 : i32, i32
  }
  func.func @transform_4(%arg0: i32) -> (i32, i32) {
    %c0_i32 = arith.constant 0 : i32
    %c0_i32_0 = arith.constant 0 : i32
    return %arg0, %c0_i32 : i32, i32
  }
  func.func @transform_5(%arg0: i32) -> (i32, i32) {
    %c0_i32 = arith.constant 0 : i32
    %c0_i32_0 = arith.constant 0 : i32
    return %arg0, %c0_i32 : i32, i32
  }
}

</mosaic_0001>

<sc_bundles>
// kernel: kernel.6.cloned.1.call-start
scs
__scs_entry_jumppad:
0x0: {  	(pc) =	sbr.rel $0x88, $3  }
0x1: {  	(tag) =	ssettag $0x0;
	lr =	simm.s32 $0x1  }
0x2: {  	[smem:$0x3F9F] =	sst lr;
	_ =	strace $0xD0000000  }
0x3: {  	_ = 	snop  }
0x4: {  	_ = 	snop  }
0x5: {  	_ = 	snop  }
0x6: {  	_ = 	snop  }
0x7: {  	_ = 	snop  }
__scs_overlays_trampoline_lowered:
0x8: {  	[smem:$0x3FAE] =	sst s0  }
0x9: {  	[smem:$0x3FAF] =	sst s1  }
0xa: {  	[smem:$0x3FB0] =	sst s2  }
0xb: {  	[smem:$0x3FB1] =	sst s3  }
0xc: {  	[smem:$0x3FB2] =	sst s4  }
0xd: {  	[smem:$0x3FB3] =	sst s5  }
0xe: {  	[smem:$0x3FB4] =	sst s6  }
0xf: {  	[smem:$0x3FB5] =	sst s7  }
0x10: {  	[smem:$0x3FB6] =	sst s8  }
0x11: {  	[smem:$0x3FB7] =	sst s9;
	s0 =	simm.s32 @!p0 $0x0  }
0x12: {  	s1 =	sld [smem:$0x3F9D];
	s0 =	simm.s32 @p0 $0x1  }
0x13: {  	[smem:$0x3FB8] =	sst s0;
	s0 =	simm.s32 @!p1 $0x0  }
0x14: {  	s2 =	sld [smem:$0x3F9C];
	s0 =	simm.s32 @p1 $0x1  }
0x15: {  	[smem:$0x3FB9] =	sst s0;
	s0 =	simm.s32 @!p2 $0x0  }
0x16: {  	s3 =	sld [smem:$0x3FDB];
	s0 =	simm.s32 @p2 $0x1  }
0x17: {  	s4 =	simm.s32 $0x1BF5;
	[smem:$0x3FBB] =	sst s0  }
0x18: {  	s0 =	sld [smem:$0x3F9E];
	_ =	swait.ge [sflag:s4], $0x0  }
0x19: {  	s7 =	sld [smem:$0x3F9F]  }
0x1a: {  	s8 =	sadd.s32 $0xFFFFE003, lr  }
0x1b: {  	s9 =	sadd.s32 $0xFFFFFEF7, lr;
	s5 =	simm.s32 $0xFFFFFFFF;
	p2 =	slt.u32 s8, $0xFFFFF086  }
0x1c: {  	p1 =	slt.u32 s9, $0xF7A;
	s5 =	simm.s32 @!p2 $0x0  }
0x1d: {  	s5 =	simm.s32 @p1 $0x1;
	p0 =	seq.s32 s7, s2  }
0x1e: {  	s7 =	smul.u32 @!p0 $0xF7A, s2;
	p2 =	seq.s32 @!p0 s5, $0x0  }
0x1f: {  	s9 =	smul.u32 $0xF7A, s1;
	s8 =	simm.s32 @!p0 $0x1BF5;
	p2 =	por !p2, p0  }
0x20: {  	[sflag:s8] =	ssyncset.s32 @!p0 $0xFFFFF086;
	s6 =	sadd.s32 @!p0 s3, s7;
	s7 =	simm.s32 @!p0 $0x108  }
0x21: {  	s3 =	sadd.s32 s3, s9;
	s6 =	sadd.s32 @!p0 $0x88, s6;
	s7 =	simm.s32 @p2 $0x1082  }
0x22: {  	[simem:s7], [sflag:s8] =	dma.local @!p0 [hbm:s6], $0xF7A  }
0x23: {  	s9 =	sor.u32 $0xD0000000, s2;
	s6 =	simm.s32 $0x108;
	_ =	swait.ge @!p0 [sflag:s8], $0x0  }
0x24: {  	s3 =	sadd.s32 $0x88, s3;
	s6 =	simm.s32 @!p1 $0x1082;
	[sflag:s4] =	ssyncset.s32 $0xFFFFF086  }
0x25: {  	[simem:s6], [sflag:s4] =	dma.local [hbm:s3], $0xF7A  }
0x26: {  	[smem:$0x3F9F] =	sst s1;
	(tag) =	ssettag s2;
	_ =	strace s9  }
0x27: {  	s1 =	sld [smem:$0x3FAF]  }
0x28: {  	s2 =	sld [smem:$0x3FB0]  }
0x29: {  	s4 =	sld [smem:$0x3FB2]  }
0x2a: {  	p0 =	seq.s32 s5, $0x0;
	s5 =	sld [smem:$0x3FB3]  }
0x2b: {  	s6 =	sld [smem:$0x3FB4]  }
0x2c: {  	s7 =	sld [smem:$0x3FB5]  }
0x2d: {  	s3 =	simm.s32 $0x108;
	s8 =	sld [smem:$0x3FB6]  }
0x2e: {  	s3 =	simm.s32 @!p0 $0x1082;
	s9 =	sld [smem:$0x3FB7]  }
0x2f: {  	lr =	sadd.s32 s0, s3;
	s0 =	sld [smem:$0x3FAE]  }
0x30: {  	s3 =	sld [smem:$0x3FB1]  }
0x31: {  	[smem:$0x3FBA] =	sst s10  }
0x32: {  	s10 =	sld [smem:$0x3FB8];
	_ =	sdelay $0x3  }
0x33: {  	p0 =	seq.s32 s10, $0x1;
	s10 =	sld [smem:$0x3FBA];
	_ =	sdelay $0x3  }
0x34: {  	[smem:$0x3FBA] =	sst s10  }
0x35: {  	s10 =	sld [smem:$0x3FB9];
	_ =	sdelay $0x3  }
0x36: {  	p1 =	seq.s32 s10, $0x1;
	s10 =	sld [smem:$0x3FBA];
	_ =	sdelay $0x3  }
0x37: {  	[smem:$0x3FBA] =	sst s10  }
0x38: {  	s10 =	sld [smem:$0x3FBB]  }
0x39: {  	_ = 	snop;
	(pc) =	sbr.ind lr, $3  }
0x3a: {  	_ = 	snop  }
0x3b: {  	_ = 	snop  }
0x3c: {  	p2 =	seq.s32 s10, $0x1;
	s10 =	sld [smem:$0x3FBA]  }
0x3d: {  	_ =	shalt  }
0x3e: {  	_ =	shalt  }
0x3f: {  	_ =	shalt  }
0x40: {  	_ =	shalt  }
0x41: {  	_ =	shalt  }
0x42: {  	_ =	shalt  }
0x43: {  	_ =	shalt  }
0x44: {  	_ =	shalt  }
0x45: {  	_ =	shalt  }
0x46: {  	_ =	shalt  }
0x47: {  	_ =	shalt  }
0x48: {  	_ =	shalt  }
0x49: {  	_ =	shalt  }
0x4a: {  	_ =	shalt  }
0x4b: {  	_ =	shalt  }
0x4c: {  	_ =	shalt  }
0x4d: {  	_ =	shalt  }
0x4e: {  	_ =	shalt  }
0x4f: {  	_ =	shalt  }
0x50: {  	_ =	shalt  }
0x51: {  	_ =	shalt  }
0x52: {  	_ =	shalt  }
0x53: {  	_ =	shalt  }
0x54: {  	_ =	shalt  }
0x55: {  	_ =	shalt  }
0x56: {  	_ =	shalt  }
0x57: {  	_ =	shalt  }
0x58: {  	_ =	shalt  }
0x59: {  	_ =	shalt  }
0x5a: {  	_ =	shalt  }
0x5b: {  	_ =	shalt  }
0x5c: {  	_ =	shalt  }
0x5d: {  	_ =	shalt  }
0x5e: {  	_ =	shalt  }
0x5f: {  	_ =	shalt  }
0x60: {  	_ =	shalt  }
0x61: {  	_ =	shalt  }
0x62: {  	_ =	shalt  }
0x63: {  	_ =	shalt  }
0x64: {  	_ =	shalt  }
0x65: {  	_ =	shalt  }
0x66: {  	_ =	shalt  }
0x67: {  	_ =	shalt  }
0x68: {  	_ =	shalt  }
0x69: {  	_ =	shalt  }
0x6a: {  	_ =	shalt  }
0x6b: {  	_ =	shalt  }
0x6c: {  	_ =	shalt  }
0x6d: {  	_ =	shalt  }
0x6e: {  	_ =	shalt  }
0x6f: {  	_ =	shalt  }
0x70: {  	_ =	shalt  }
0x71: {  	_ =	shalt  }
0x72: {  	_ =	shalt  }
0x73: {  	_ =	shalt  }
0x74: {  	_ =	shalt  }
0x75: {  	_ =	shalt  }
0x76: {  	_ =	shalt  }
0x77: {  	_ =	shalt  }
0x78: {  	_ =	shalt  }
0x79: {  	_ =	shalt  }
0x7a: {  	_ =	shalt  }
0x7b: {  	_ =	shalt  }
0x7c: {  	_ =	shalt  }
0x7d: {  	_ =	shalt  }
0x7e: {  	_ =	shalt  }
0x7f: {  	_ =	shalt  }
0x80: {  	_ =	shalt  }
0x81: {  	_ =	shalt  }
0x82: {  	_ =	shalt  }
0x83: {  	_ =	shalt  }
0x84: {  	_ =	shalt  }
0x85: {  	_ =	shalt  }
0x86: {  	_ =	shalt  }
0x87: {  	_ =	shalt  }
.Lfunc_end0:
.L_simem_size_0:
called_computation_lowered:
.L_overlay_start_0:
0x88: {  	s2 =	sld [smem:$0x3FD9]  }
0x89: {  	s3 =	sld [smem:$0x3FFE];
	_ =	sdelay $0x1  }
0x8a: {  	s1 =	srdreg.scid  }
0x8b: {  	s0 =	sand.u32 $0x1, s1  }
0x8c: {  	s17 =	sshll.u32 s0, $0xA;
	s2 =	sadd.s32 s3, s2  }
0x8d: {  	s2 =	sadd.s32 s2, s17  }
0x8e: {  	[smem:$0x3FC6] =	sst s2  }
0x8f: {  	_ = 	snop  }
0x90: {  	(tm) =	ssettm $0x1  }
0x91: {  	s18 =	sld [smem:$0x3FFB];
	_ =	sdelay $0x3  }
0x92: {  	_ =	strace s18  }
0x93: {  	s2 =	sld [smem:$0x3FFC];
	_ =	sdelay $0x3  }
0x94: {  	_ =	strace s2  }
0x95: {  	s2 =	sld [smem:$0x3FFD];
	_ =	sdelay $0x3  }
0x96: {  	_ =	strace s2  }
0x97: {  	_ =	strace $0x8FFFFFFF  }
0x98: {  	s19 =	sld [smem:$0x3FDB];
	_ =	sdelay $0x1  }
0x99: {  	s20 =	simm.s32 $_scs_section_size  }
0x9a: {  	s4 =	simm.s32 $_size__tile_overlayer_lowered;
	s5 =	simm.s32 $_tile_overlayer_lowered  }
0x9b: {  	s6 =	simm.s32 $0x1BFF;
	s21 =	sshll.u32 s5, $0x1;
	s3 =	sadd.s32 s20, s19  }
0x9c: {  	s22 =	simm.s32 $0x0;
	s4 =	sshll.u32 s4, $0x1;
	s5 =	sadd.s32 s21, s3  }
0x9d: {  	[timem:s22], [sflag:s6] =	dma.local [hbm:s5], s4  }
0x9e: {  	_ =	swait.ge [sflag:s6], s4  }
0x9f: {  	s4 =	ssub.s32 $0x0, s4;
	[sflag:s6] =	ssyncset.done $0x0  }
0xa0: {  	[sflag:s6] =	ssyncadd.s32 s4;
	_ =	sdelay $0x1  }
0xa1: {  	s23 =	simm.s32 $0x1B8B  }
0xa2: {  	_ =	swait.ge [sflag:s23], $0x1  }
0xa3: {  	[sflag:s23] =	ssyncset.done $0x0  }
0xa4: {  	[sflag:s23] =	ssyncadd.s32 $0xFFFFFFFF  }
0xa5: {  	s4 =	sld [smem:$0x0]  }
0xa6: {  	s5 =	sand.u32 $0xFFFFFFFE, s1  }
0xa7: {  	p0 =	sne.s32 s1, s5  }
0xa8: {  	s5 =	sshll.u32 @p0 s5, $0xE  }
0xa9: {  	s5 =	sadd.s32 @p0 $0x11B8D, s5;
	s6 =	sshll.u32 @p0 s4, $0x11  }
0xaa: {  	s5 =	sor.u32 @p0 s6, s5  }
0xab: {  	[sflag:s5] =	ssyncadd.remote.s32 @p0 $0x1;
	_ =	sdelay $0x1  }
0xac: {  	s5 =	simm.s32 @p0 $0x1B8D  }
0xad: {  	_ =	swait.eq @p0 [sflag:s5], $0x1  }
0xae: {  	[sflag:s5] =	ssyncadd.s32 @p0 $0xFFFFFFFF  }
0xaf: {  	s6 =	sshll.u32 @!p0 s1, $0xE  }
0xb0: {  	s6 =	sor.u32 @!p0 $0x4000, s6;
	s5 =	simm.s32 @!p0 $0x1B8D  }
0xb1: {  	s4 =	sshll.u32 @!p0 s4, $0x11;
	s6 =	sadd.s32 @!p0 $0x11B8D, s6;
	_ =	swait.eq @!p0 [sflag:s5], $0x1  }
0xb2: {  	s4 =	sor.u32 @!p0 s4, s6;
	[sflag:s5] =	ssyncadd.s32 @!p0 $0xFFFFFFFF  }
0xb3: {  	s25 =	simm.s32 $0x1B8E;
	s24 =	sld [smem:$0x3FFE];
	[sflag:s4] =	ssyncadd.remote.s32 @!p0 $0x1  }
0xb4: {  	s26 =	simm.s32 $execute0_lowered;
	[smem:$0x3FD2] =	sst s25  }
0xb5: {  	s5 =	sshll.u32 s26, $0x1;
	_ =	strace $0x80000049;
	[dreg:$0x1] =	wrdreg $0xFFFFFFFF  }
0xb6: {  	s28 =	simm.s32 $_size_execute0_lowered;
	s3 =	sadd.s32 s3, s5;
	[dreg:$0x0] =	wrdreg $0x0  }
0xb7: {  	s5 =	sshll.u32 s28, $0x1;
	[dreg:$0x2] =	wrdreg s3  }
0xb8: {  	[dreg:$0x3] =	wrdreg s5  }
0xb9: {  	[dreg:$0x4] =	wrdreg $0xC0  }
0xba: {  	_ =	task [dreg:s22], $0x5FFFF  }
0xbb: {  	[dreg:$0x1] =	wrdreg $0xFFFFFFFF  }
0xbc: {  	[dreg:$0x0] =	wrdreg $0x60  }
0xbd: {  	[dreg:$0x2] =	wrdreg s24  }
0xbe: {  	[dreg:$0x3] =	wrdreg $0x9  }
0xbf: {  	_ =	task.clear_ibuf [dreg:s22], $0x4FFFF;
	_ =	strace $0x90000049  }
0xc0: {  	s29 =	simm.s32 $0x9;
	_ =	strace $0x8000004B  }
0xc1: {  	_ =	swait.ge [sflag:s29], $0x1  }
0xc2: {  	[sflag:s29] =	ssyncadd.s32 $0xFFFFFFFF  }
0xc3: {  	_ =	strace $0x9000004B  }
0xc4: {  	_ =	sfence  }
0xc5: {  	s30 =	sld [smem:$0x0];
	_ =	sdelay $0x2  }
0xc6: {  	s31 =	sshll.u32 s1, $0xD;
	s1 =	sshrl.u32 s1, $0x2  }
0xc7: {  	s4 =	sand.u32 $0x4000, s31;
	s1 =	sadd.s32 s1, s30  }
0xc8: {  	s0 =	sor.u32 s4, s0;
	s1 =	sshll.u32 s1, $0x11  }
0xc9: {  	s0 =	sor.u32 s1, s0  }
0xca: {  	s0 =	sadd.s32 $0x8F2B, s0  }
0xcb: {  	[sflag:s0] =	ssyncadd.remote.s32 $0x1  }
0xcc: {  	_ =	sfence.sel $0xFFFF  }
0xcd: {  	[dreg:$0x0] =	wrdreg $0xFFFFFFFF;
	(pc) =	sbr.abs _section_cstart, $3  }
0xce: {  	[dreg:$0x1] =	wrdreg $0xFFFFFFFF  }
0xcf: {  	_ =	task.clear_ibuf [dreg:s22], $0x2FFFF;
	_ =	strace $0x9FFFFFFF  }
0xd0: {  	(tm) =	ssettm $0x7FFFFFFF  }
0xd1: {  	_ =	shalt  }
tec
execute0_lowered:
.L_overlay_start_1:
0x0: {  	(tag) =	ssettag $0x1  }
0x1: {  	v0 =	vlaneseq.u32;
	v2 =	vimm.f32 $0.0e+00  }
0x2: {  	v3 =	vimm.f32 $1.000000000e+00;
	v1 =	vmul.u32 $0x31, v0;
	v6 =	vadd.s32 $0x31, v0  }
0x3: {  	v7 =	vadd.s32 $0x62, v0;
	v8 =	vadd.s32 $0x93, v0;
	v9 =	vadd.s32 $0xC4, v0  }
0x4: {  	v10 =	vadd.s32 $0xF5, v0;
	v11 =	vadd.s32 $0x126, v0;
	v12 =	vadd.s32 $0x157, v0  }
0x5: {  	v13 =	vadd.s32 $0x188, v0;
	v14 =	vadd.s32 $0x1B9, v0;
	v15 =	vadd.s32 $0x1EA, v0  }
0x6: {  	v16 =	vadd.s32 $0x21B, v0;
	v17 =	vadd.s32 $0x24C, v0;
	v18 =	vadd.s32 $0x27D, v0  }
0x7: {  	v19 =	vadd.s32 $0x2AE, v0;
	v20 =	vadd.s32 $0x2DF, v0;
	v21 =	vor.u32 $0x10, v0  }
0x8: {  	s3 =	rddreg [dreg:$0x0];
	v22 =	vadd.s32 $0x41, v0;
	v23 =	vadd.s32 $0x72, v0;
	v24 =	vadd.s32 $0xA3, v0  }
0x9: {  	s0 =	rddreg [dreg:$0x1];
	v25 =	vadd.s32 $0xD4, v0;
	v26 =	vadd.s32 $0x105, v0;
	v27 =	vadd.s32 $0x136, v0  }
0xa: {  	s2 =	simm.s32 $0x0;
	s4 =	srdreg.scid;
	s1 =	stileid.u32;
	v28 =	vadd.s32 $0x167, v0;
	v29 =	vadd.s32 $0x198, v0;
	v30 =	vadd.s32 $0x1C9, v0  }
0xb: {  	s9 =	simm.s32 $0x2000;
	s10 =	simm.s32 $0x1;
	s11 =	simm.s32 $0x3000;
	v31 =	vadd.s32 $0x1FA, v0;
	v32 =	vadd.s32 $0x22B, v0;
	v33 =	vadd.s32 $0x25C, v0  }
0xc: {  	s12 =	simm.s32 $0x3380;
	s13 =	simm.s32 $0x2;
	s14 =	simm.s32 $0x0;
	v34 =	vadd.s32 $0x28D, v0;
	v35 =	vadd.s32 $0x2BE, v0;
	v36 =	vadd.s32 $0x2EF, v0  }
0xd: {  	[smem:$0x7FF] =	sst s2;
	s4 =	sand.u32 $0x1, s4;
	s5 =	sshll.u32 s1, $0x1;
	v37 =	vor.u32 $0x20, v0;
	v38 =	vadd.s32 $0x51, v0;
	v39 =	vadd.s32 $0x82, v0  }
0xe: {  	v40 =	vadd.s32 $0xB3, v0;
	v41 =	vadd.s32 $0xE4, v0;
	v42 =	vadd.s32 $0x115, v0;
	_ =	strace $0x8000004A;
	s5 =	sor.u32 s4, s5;
	s4 =	ssub.s32 $0x2, s4  }
0xf: {  	v43 =	vadd.s32 $0x146, v0;
	v44 =	vadd.s32 $0x177, v0;
	v45 =	vadd.s32 $0x1A8, v0;
	s6 =	sshll.u32 s5, $0x9;
	s5 =	sshll.u32 s5, $0x4;
	s7 =	sshrl.u32 s4, $0x1  }
0x10: {  	v46 =	vadd.s32 $0x1D9, v0;
	v47 =	vadd.s32 $0x20A, v0;
	v48 =	vadd.s32 $0x23B, v0;
	s6 =	sadd.s32 s6, s3;
	s8 =	sadd.s32 s5, s3;
	s7 =	ssub.s32 s4, s7  }
0x11: {  	v49 =	vadd.s32 $0x26C, v0;
	v50 =	vadd.s32 $0x29D, v0;
	v51 =	vadd.s32 $0x2CE, v0;
	s3 =	sadd.s32 $0xCE00, s6;
	s4 =	sadd.s32 $0x10E00, s6;
	s5 =	sadd.s32 $0x14E00, s6  }
0x12: {  	v52 =	vadd.s32 $0x2FF, v0;
	v4 =	vadd.s32 $0x10, v1;
	v5 =	vadd.s32 $0x20, v1;
	s6 =	sadd.s32 $0x18E00, s8;
	s7 =	smax.u32 s7, $0x1;
	s8 =	simm.s32 $0x1000  }
.LBB2_1:
0x13: {  	[tilespmem:s2], [sflag:$0x1] =	stream.linear.gather [hbm4b:s3+s2], $0x1000, $0x38;
	[tilespmem:$0x3400] =	vst v63  }
0x14: {  	_ = 	snop  }
0x15: {  	[tilespmem:s8], [sflag:$0x1] =	stream.linear.gather [hbm4b:s4+s2], $0x1000, $0x38;
	[tilespmem:$0x3400] =	vst v63  }
0x16: {  	_ = 	snop  }
0x17: {  	[tilespmem:s9], [sflag:$0x1] =	stream.linear.gather [hbm4b:s5+s2], $0x1000, $0x38;
	[tilespmem:$0x3400] =	vst v63  }
0x18: {  	[tilespmem:$0x3000] =	vst v2  }
0x19: {  	[tilespmem:$0x3010] =	vst v2  }
0x1a: {  	[tilespmem:$0x3020] =	vst v2  }
0x1b: {  	[tilespmem:$0x3030] =	vst v2  }
0x1c: {  	[tilespmem:$0x3040] =	vst v2  }
0x1d: {  	[tilespmem:$0x3050] =	vst v2  }
0x1e: {  	[tilespmem:$0x3060] =	vst v2  }
0x1f: {  	[tilespmem:$0x3070] =	vst v2  }
0x20: {  	[tilespmem:$0x3080] =	vst v2  }
0x21: {  	[tilespmem:$0x3090] =	vst v2  }
0x22: {  	[tilespmem:$0x30A0] =	vst v2  }
0x23: {  	[tilespmem:$0x30B0] =	vst v2  }
0x24: {  	[tilespmem:$0x30C0] =	vst v2  }
0x25: {  	[tilespmem:$0x30D0] =	vst v2  }
0x26: {  	[tilespmem:$0x30E0] =	vst v2  }
0x27: {  	[tilespmem:$0x30F0] =	vst v2  }
0x28: {  	[tilespmem:$0x3100] =	vst v2  }
0x29: {  	[tilespmem:$0x3110] =	vst v2  }
0x2a: {  	[tilespmem:$0x3120] =	vst v2  }
0x2b: {  	[tilespmem:$0x3130] =	vst v2  }
0x2c: {  	[tilespmem:$0x3140] =	vst v2  }
0x2d: {  	[tilespmem:$0x3150] =	vst v2  }
0x2e: {  	[tilespmem:$0x3160] =	vst v2  }
0x2f: {  	[tilespmem:$0x3170] =	vst v2  }
0x30: {  	[tilespmem:$0x3180] =	vst v2  }
0x31: {  	[tilespmem:$0x3190] =	vst v2  }
0x32: {  	[tilespmem:$0x31A0] =	vst v2  }
0x33: {  	[tilespmem:$0x31B0] =	vst v2  }
0x34: {  	[tilespmem:$0x31C0] =	vst v2  }
0x35: {  	[tilespmem:$0x31D0] =	vst v2  }
0x36: {  	[tilespmem:$0x31E0] =	vst v2  }
0x37: {  	[tilespmem:$0x31F0] =	vst v2  }
0x38: {  	[tilespmem:$0x3200] =	vst v2  }
0x39: {  	[tilespmem:$0x3210] =	vst v2  }
0x3a: {  	[tilespmem:$0x3220] =	vst v2  }
0x3b: {  	[tilespmem:$0x3230] =	vst v2  }
0x3c: {  	[tilespmem:$0x3240] =	vst v2  }
0x3d: {  	[tilespmem:$0x3250] =	vst v2  }
0x3e: {  	[tilespmem:$0x3260] =	vst v2  }
0x3f: {  	[tilespmem:$0x3270] =	vst v2  }
0x40: {  	[tilespmem:$0x3280] =	vst v2  }
0x41: {  	[tilespmem:$0x3290] =	vst v2  }
0x42: {  	[tilespmem:$0x32A0] =	vst v2  }
0x43: {  	[tilespmem:$0x32B0] =	vst v2  }
0x44: {  	[tilespmem:$0x32C0] =	vst v2  }
0x45: {  	[tilespmem:$0x32D0] =	vst v2  }
0x46: {  	[tilespmem:$0x32E0] =	vst v2  }
0x47: {  	[tilespmem:$0x32F0] =	vst v2  }
0x48: {  	[tilespmem:$0x3300] =	vst v2  }
0x49: {  	_ =	swait.ge [sflag:s10], $0x1000  }
0x4a: {  	[sflag:s10] =	ssyncset.done $0x0  }
0x4b: {  	[sflag:s10] =	ssyncadd.s32 $0xFFFFF000  }
0x4c: {  	_ =	swait.ge [sflag:s10], $0x1000  }
0x4d: {  	[sflag:s10] =	ssyncset.done $0x0  }
0x4e: {  	[sflag:s10] =	ssyncadd.s32 $0xFFFFF000  }
0x4f: {  	_ =	swait.ge [sflag:s10], $0x1000  }
0x50: {  	[sflag:s10] =	ssyncset.done $0x0  }
0x51: {  	s15 =	simm.s32 $0x0;
	[sflag:s10] =	ssyncadd.s32 $0xFFFFF000  }
.LBB2_2:
0x52: {  	s16 =	sshra.s32 s15, $0x2  }
0x53: {  	v53 =	vld [tilespmem:s16+$0x0];
	_ =	sdelay $0x4  }
0x54: {  	v54 =	vadd.s32 v1, v53  }
0x55: {  	v55 =	vld [tilespmem:s16+$0x1000];
	v56 =	vadd.s32 v4, v53  }
0x56: {  	v57 =	vld [tilespmem:s16+$0x2000];
	v53 =	vadd.s32 v5, v53;
	_ =	sdelay $0x2  }
0x57: {  	[tilespmem:v54+s11+$0x0] =	vst.idx.add.f32.msk $0xffff, v3  }
0x58: {  	[tilespmem:v56+s11+$0x0] =	vst.idx.add.f32.msk $0xffff, v55  }
0x59: {  	[tilespmem:v53+s11+$0x0] =	vst.idx.add.f32.msk $0xffff, v57  }
0x5a: {  	v53 =	vld [tilespmem:s16+$0x10];
	_ =	sdelay $0x4  }
0x5b: {  	v62 =	vadd.s32 v1, v53  }
0x5c: {  	v55 =	vld [tilespmem:s16+$0x1010];
	v63 =	vadd.s32 v4, v53  }
0x5d: {  	v57 =	vld [tilespmem:s16+$0x2010];
	v53 =	vadd.s32 v5, v53;
	_ =	sdelay $0x2  }
0x5e: {  	[tilespmem:v62+s11+$0x0] =	vst.idx.add.f32.msk $0xffff, v3  }
0x5f: {  	[tilespmem:v63+s11+$0x0] =	vst.idx.add.f32.msk $0xffff, v55  }
0x60: {  	[tilespmem:v53+s11+$0x0] =	vst.idx.add.f32.msk $0xffff, v57  }
0x61: {  	v53 =	vld [tilespmem:s16+$0x20];
	_ =	sdelay $0x4  }
0x62: {  	v60 =	vadd.s32 v1, v53  }
0x63: {  	v55 =	vld [tilespmem:s16+$0x1020];
	v61 =	vadd.s32 v4, v53  }
0x64: {  	v57 =	vld [tilespmem:s16+$0x2020];
	v53 =	vadd.s32 v5, v53;
	_ =	sdelay $0x2  }
0x65: {  	[tilespmem:v60+s11+$0x0] =	vst.idx.add.f32.msk $0xffff, v3  }
0x66: {  	[tilespmem:v61+s11+$0x0] =	vst.idx.add.f32.msk $0xffff, v55  }
0x67: {  	[tilespmem:v53+s11+$0x0] =	vst.idx.add.f32.msk $0xffff, v57  }
0x68: {  	v53 =	vld [tilespmem:s16+$0x30];
	_ =	sdelay $0x4  }
0x69: {  	v62 =	vadd.s32 v1, v53  }
0x6a: {  	v55 =	vld [tilespmem:s16+$0x1030];
	v63 =	vadd.s32 v4, v53  }
0x6b: {  	p0 =	sne.s32 s15, $0x3F00;
	v57 =	vld [tilespmem:s16+$0x2030];
	v53 =	vadd.s32 v5, v53  }
.Ltmp0:
0x6c: {  	_ = 	snop;
	(pc) =	sbr.rel @p0 .LBB2_2-.Ltmp0, $4  }
0x6d: {  	_ = 	snop  }
0x6e: {  	[tilespmem:v62+s11+$0x0] =	vst.idx.add.f32.msk $0xffff, v3  }
0x6f: {  	[tilespmem:v63+s11+$0x0] =	vst.idx.add.f32.msk $0xffff, v55  }
0x70: {  	s15 =	sadd.s32 $0x100, s15;
	[tilespmem:v53+s11+$0x0] =	vst.idx.add.f32.msk $0xffff, v57  }
0x71: {  	_ =	sdelay $0x3  }
0x72: {  	v53 =	vld.idx.msk [tilespmem:v0+s11+$0x0], $0xffff  }
0x73: {  	v54 =	vld.idx.msk [tilespmem:v6+s11+$0x0], $0xffff;
	_ =	sdelay $0x1  }
0x74: {  	v55 =	vld.idx.msk [tilespmem:v7+s11+$0x0], $0xffff;
	_ =	sdelay $0x1  }
0x75: {  	v56 =	vld.idx.msk [tilespmem:v8+s11+$0x0], $0xffff  }
0x76: {  	v53 =	vadd.f32 v54, v53  }
0x77: {  	v62 =	vld.idx.msk [tilespmem:v9+s11+$0x0], $0xffff  }
0x78: {  	v53 =	vadd.f32 v55, v53  }
0x79: {  	v63 =	vld.idx.msk [tilespmem:v10+s11+$0x0], $0xffff  }
0x7a: {  	v53 =	vadd.f32 v56, v53  }
0x7b: {  	v60 =	vld.idx.msk [tilespmem:v11+s11+$0x0], $0xffff  }
0x7c: {  	v53 =	vadd.f32 v62, v53  }
0x7d: {  	v61 =	vld.idx.msk [tilespmem:v12+s11+$0x0], $0xffff  }
0x7e: {  	v53 =	vadd.f32 v63, v53  }
0x7f: {  	v62 =	vld.idx.msk [tilespmem:v13+s11+$0x0], $0xffff  }
0x80: {  	v53 =	vadd.f32 v60, v53  }
0x81: {  	v63 =	vld.idx.msk [tilespmem:v14+s11+$0x0], $0xffff  }
0x82: {  	v53 =	vadd.f32 v61, v53  }
0x83: {  	v60 =	vld.idx.msk [tilespmem:v15+s11+$0x0], $0xffff  }
0x84: {  	v53 =	vadd.f32 v62, v53  }
0x85: {  	v61 =	vld.idx.msk [tilespmem:v16+s11+$0x0], $0xffff  }
0x86: {  	v53 =	vadd.f32 v63, v53  }
0x87: {  	v62 =	vld.idx.msk [tilespmem:v17+s11+$0x0], $0xffff  }
0x88: {  	v53 =	vadd.f32 v60, v53  }
0x89: {  	v63 =	vld.idx.msk [tilespmem:v18+s11+$0x0], $0xffff  }
0x8a: {  	v53 =	vadd.f32 v61, v53  }
0x8b: {  	v60 =	vld.idx.msk [tilespmem:v19+s11+$0x0], $0xffff  }
0x8c: {  	v53 =	vadd.f32 v62, v53  }
0x8d: {  	v61 =	vld.idx.msk [tilespmem:v20+s11+$0x0], $0xffff  }
0x8e: {  	v53 =	vadd.f32 v63, v53;
	_ =	sdelay $0x1  }
0x8f: {  	v53 =	vadd.f32 v60, v53;
	_ =	sdelay $0x1  }
0x90: {  	v53 =	vadd.f32 v61, v53;
	_ =	sdelay $0x1  }
0x91: {  	[tilespmem:$0x3380] =	vst v53  }
0x92: {  	v53 =	vld.idx.msk [tilespmem:v21+s11+$0x0], $0xffff  }
0x93: {  	v62 =	vld.idx.msk [tilespmem:v22+s11+$0x0], $0xffff;
	_ =	sdelay $0x1  }
0x94: {  	v63 =	vld.idx.msk [tilespmem:v23+s11+$0x0], $0xffff;
	_ =	sdelay $0x1  }
0x95: {  	v60 =	vld.idx.msk [tilespmem:v24+s11+$0x0], $0xffff  }
0x96: {  	v53 =	vadd.f32 v62, v53  }
0x97: {  	v61 =	vld.idx.msk [tilespmem:v25+s11+$0x0], $0xffff  }
0x98: {  	v53 =	vadd.f32 v63, v53  }
0x99: {  	v62 =	vld.idx.msk [tilespmem:v26+s11+$0x0], $0xffff  }
0x9a: {  	v53 =	vadd.f32 v60, v53  }
0x9b: {  	v63 =	vld.idx.msk [tilespmem:v27+s11+$0x0], $0xffff  }
0x9c: {  	v53 =	vadd.f32 v61, v53  }
0x9d: {  	v60 =	vld.idx.msk [tilespmem:v28+s11+$0x0], $0xffff  }
0x9e: {  	v53 =	vadd.f32 v62, v53  }
0x9f: {  	v61 =	vld.idx.msk [tilespmem:v29+s11+$0x0], $0xffff  }
0xa0: {  	v53 =	vadd.f32 v63, v53  }
0xa1: {  	v62 =	vld.idx.msk [tilespmem:v30+s11+$0x0], $0xffff  }
0xa2: {  	v53 =	vadd.f32 v60, v53  }
0xa3: {  	v63 =	vld.idx.msk [tilespmem:v31+s11+$0x0], $0xffff  }
0xa4: {  	v53 =	vadd.f32 v61, v53  }
0xa5: {  	v60 =	vld.idx.msk [tilespmem:v32+s11+$0x0], $0xffff  }
0xa6: {  	v53 =	vadd.f32 v62, v53  }
0xa7: {  	v61 =	vld.idx.msk [tilespmem:v33+s11+$0x0], $0xffff  }
0xa8: {  	v53 =	vadd.f32 v63, v53  }
0xa9: {  	v62 =	vld.idx.msk [tilespmem:v34+s11+$0x0], $0xffff  }
0xaa: {  	v53 =	vadd.f32 v60, v53  }
0xab: {  	v63 =	vld.idx.msk [tilespmem:v35+s11+$0x0], $0xffff  }
0xac: {  	v53 =	vadd.f32 v61, v53  }
0xad: {  	v60 =	vld.idx.msk [tilespmem:v36+s11+$0x0], $0xffff  }
0xae: {  	v53 =	vadd.f32 v62, v53;
	_ =	sdelay $0x1  }
0xaf: {  	v53 =	vadd.f32 v63, v53;
	_ =	sdelay $0x1  }
0xb0: {  	v53 =	vadd.f32 v60, v53;
	_ =	sdelay $0x1  }
0xb1: {  	[tilespmem:$0x3390] =	vst v53  }
0xb2: {  	v53 =	vld.idx.msk [tilespmem:v37+s11+$0x0], $0xffff  }
0xb3: {  	v61 =	vld.idx.msk [tilespmem:v38+s11+$0x0], $0xffff;
	_ =	sdelay $0x1  }
0xb4: {  	v62 =	vld.idx.msk [tilespmem:v39+s11+$0x0], $0xffff;
	_ =	sdelay $0x1  }
0xb5: {  	v63 =	vld.idx.msk [tilespmem:v40+s11+$0x0], $0xffff  }
0xb6: {  	v53 =	vadd.f32 v61, v53  }
0xb7: {  	v60 =	vld.idx.msk [tilespmem:v41+s11+$0x0], $0xffff  }
0xb8: {  	v53 =	vadd.f32 v62, v53  }
0xb9: {  	v61 =	vld.idx.msk [tilespmem:v42+s11+$0x0], $0xffff  }
0xba: {  	v53 =	vadd.f32 v63, v53  }
0xbb: {  	v62 =	vld.idx.msk [tilespmem:v43+s11+$0x0], $0xffff  }
0xbc: {  	v53 =	vadd.f32 v60, v53  }
0xbd: {  	v63 =	vld.idx.msk [tilespmem:v44+s11+$0x0], $0xffff  }
0xbe: {  	v53 =	vadd.f32 v61, v53  }
0xbf: {  	v60 =	vld.idx.msk [tilespmem:v45+s11+$0x0], $0xffff  }
0xc0: {  	v53 =	vadd.f32 v62, v53  }
0xc1: {  	v61 =	vld.idx.msk [tilespmem:v46+s11+$0x0], $0xffff  }
0xc2: {  	v53 =	vadd.f32 v63, v53  }
0xc3: {  	v62 =	vld.idx.msk [tilespmem:v47+s11+$0x0], $0xffff  }
0xc4: {  	v53 =	vadd.f32 v60, v53  }
0xc5: {  	v63 =	vld.idx.msk [tilespmem:v48+s11+$0x0], $0xffff  }
0xc6: {  	v53 =	vadd.f32 v61, v53  }
0xc7: {  	v60 =	vld.idx.msk [tilespmem:v49+s11+$0x0], $0xffff  }
0xc8: {  	v53 =	vadd.f32 v62, v53  }
0xc9: {  	v61 =	vld.idx.msk [tilespmem:v50+s11+$0x0], $0xffff  }
0xca: {  	v53 =	vadd.f32 v63, v53  }
0xcb: {  	v62 =	vld.idx.msk [tilespmem:v51+s11+$0x0], $0xffff  }
0xcc: {  	v53 =	vadd.f32 v60, v53  }
0xcd: {  	v63 =	vld.idx.msk [tilespmem:v52+s11+$0x0], $0xffff  }
0xce: {  	v53 =	vadd.f32 v61, v53;
	_ =	sdelay $0x1  }
0xcf: {  	v53 =	vadd.f32 v62, v53;
	_ =	sdelay $0x1  }
0xd0: {  	s14 =	sadd.s32 $0x1, s14;
	v53 =	vadd.f32 v63, v53  }
0xd1: {  	p0 =	sne.s32 s14, s7  }
.Ltmp1:
0xd2: {  	[tilespmem:$0x33A0] =	vst v53;
	(pc) =	sbr.rel @p0 .LBB2_1-.Ltmp1, $4  }
0xd3: {  	[hbm4b:s6+s2] =	stream.linear.scatter [tilespmem:s12], [sflag:$0x2], $0x80, $0x38;
	[tilespmem:$0x3400] =	vst v63  }
0xd4: {  	_ =	swait.ge [sflag:s13], $0x80  }
0xd5: {  	[sflag:s13] =	ssyncset.done $0x0  }
0xd6: {  	[sflag:s13] =	ssyncadd.s32 $0xFFFFFF80  }
0xd7: {  	_ =	sfence.sel $0x180000  }
0xd8: {  	[bflag:$0x0] =	sbarrier.arrive $0xFFFF  }
0xd9: {  	p0 =	sne.s32 s1, $0x0;
	_ =	strace $0x9000004A  }
0xda: {  	s0 =	sadd.s32 @!p0 $0x100000, s0;
	[bflag:$0x2] =	sbarrier.arrive $0xFFFF  }
0xdb: {  	[sflag:s0] =	ssyncadd.tile.s32 @!p0 $0x1;
	_ =	shalt  }
.Lfunc_end2:
_tile_overlayer_lowered:
.L_overlay_start_2:
0xdc: {  	(tag) =	ssettag $0x2  }
0xdd: {  	s0 =	rddreg [dreg:$0x0];
	s2 =	stileid.u32  }
0xde: {  	s1 =	rddreg [dreg:$0x1];
	p0 =	sne.s32 s2, $0x0  }
0xdf: {  	s3 =	rddreg [dreg:$0x2];
	[bflag:$0x3] =	sbarrier.arrive $0xFFFF;
	s2 =	simm.s32 @!p0 $0x1C02  }
0xe0: {  	[timem:s3], [sflag:s2] =	dma.local @!p0 [hbm:s0], s1  }
0xe1: {  	s0 =	simm.s32 @!p0 $0x2  }
0xe2: {  	_ =	swait.ge @!p0 [sflag:s0], s1  }
0xe3: {  	s1 =	ssub.s32 @!p0 $0x0, s1;
	[sflag:s0] =	ssyncset.done @!p0 $0x0  }
0xe4: {  	[sflag:s0] =	ssyncadd.s32 @!p0 s1  }
0xe5: {  	[bflag:$0x3] =	sbarrier.arrive $0xFFFF  }
0xe6: {  	_ =	shalt  }

// kernel: kernel.9.cloned.1.call-start
scs
__scs_entry_jumppad:
0x0: {  	(pc) =	sbr.rel $0x88, $3  }
0x1: {  	(tag) =	ssettag $0x0;
	lr =	simm.s32 $0x1  }
0x2: {  	[smem:$0x3F9F] =	sst lr;
	_ =	strace $0xD0000000  }
0x3: {  	_ = 	snop  }
0x4: {  	_ = 	snop  }
0x5: {  	_ = 	snop  }
0x6: {  	_ = 	snop  }
0x7: {  	_ = 	snop  }
__scs_overlays_trampoline_lowered:
0x8: {  	[smem:$0x3FAE] =	sst s0  }
0x9: {  	[smem:$0x3FAF] =	sst s1  }
0xa: {  	[smem:$0x3FB0] =	sst s2  }
0xb: {  	[smem:$0x3FB1] =	sst s3  }
0xc: {  	[smem:$0x3FB2] =	sst s4  }
0xd: {  	[smem:$0x3FB3] =	sst s5  }
0xe: {  	[smem:$0x3FB4] =	sst s6  }
0xf: {  	[smem:$0x3FB5] =	sst s7  }
0x10: {  	[smem:$0x3FB6] =	sst s8  }
0x11: {  	[smem:$0x3FB7] =	sst s9;
	s0 =	simm.s32 @!p0 $0x0  }
0x12: {  	s1 =	sld [smem:$0x3F9D];
	s0 =	simm.s32 @p0 $0x1  }
0x13: {  	[smem:$0x3FB8] =	sst s0;
	s0 =	simm.s32 @!p1 $0x0  }
0x14: {  	s2 =	sld [smem:$0x3F9C];
	s0 =	simm.s32 @p1 $0x1  }
0x15: {  	[smem:$0x3FB9] =	sst s0;
	s0 =	simm.s32 @!p2 $0x0  }
0x16: {  	s3 =	sld [smem:$0x3FDB];
	s0 =	simm.s32 @p2 $0x1  }
0x17: {  	s4 =	simm.s32 $0x1BF5;
	[smem:$0x3FBB] =	sst s0  }
0x18: {  	s0 =	sld [smem:$0x3F9E];
	_ =	swait.ge [sflag:s4], $0x0  }
0x19: {  	s7 =	sld [smem:$0x3F9F]  }
0x1a: {  	s8 =	sadd.s32 $0xFFFFE003, lr  }
0x1b: {  	s9 =	sadd.s32 $0xFFFFFEF7, lr;
	s5 =	simm.s32 $0xFFFFFFFF;
	p2 =	slt.u32 s8, $0xFFFFF086  }
0x1c: {  	p1 =	slt.u32 s9, $0xF7A;
	s5 =	simm.s32 @!p2 $0x0  }
0x1d: {  	s5 =	simm.s32 @p1 $0x1;
	p0 =	seq.s32 s7, s2  }
0x1e: {  	s7 =	smul.u32 @!p0 $0xF7A, s2;
	p2 =	seq.s32 @!p0 s5, $0x0  }
0x1f: {  	s9 =	smul.u32 $0xF7A, s1;
	s8 =	simm.s32 @!p0 $0x1BF5;
	p2 =	por !p2, p0  }
0x20: {  	[sflag:s8] =	ssyncset.s32 @!p0 $0xFFFFF086;
	s6 =	sadd.s32 @!p0 s3, s7;
	s7 =	simm.s32 @!p0 $0x108  }
0x21: {  	s3 =	sadd.s32 s3, s9;
	s6 =	sadd.s32 @!p0 $0x88, s6;
	s7 =	simm.s32 @p2 $0x1082  }
0x22: {  	[simem:s7], [sflag:s8] =	dma.local @!p0 [hbm:s6], $0xF7A  }
0x23: {  	s9 =	sor.u32 $0xD0000000, s2;
	s6 =	simm.s32 $0x108;
	_ =	swait.ge @!p0 [sflag:s8], $0x0  }
0x24: {  	s3 =	sadd.s32 $0x88, s3;
	s6 =	simm.s32 @!p1 $0x1082;
	[sflag:s4] =	ssyncset.s32 $0xFFFFF086  }
0x25: {  	[simem:s6], [sflag:s4] =	dma.local [hbm:s3], $0xF7A  }
0x26: {  	[smem:$0x3F9F] =	sst s1;
	(tag) =	ssettag s2;
	_ =	strace s9  }
0x27: {  	s1 =	sld [smem:$0x3FAF]  }
0x28: {  	s2 =	sld [smem:$0x3FB0]  }
0x29: {  	s4 =	sld [smem:$0x3FB2]  }
0x2a: {  	p0 =	seq.s32 s5, $0x0;
	s5 =	sld [smem:$0x3FB3]  }
0x2b: {  	s6 =	sld [smem:$0x3FB4]  }
0x2c: {  	s7 =	sld [smem:$0x3FB5]  }
0x2d: {  	s3 =	simm.s32 $0x108;
	s8 =	sld [smem:$0x3FB6]  }
0x2e: {  	s3 =	simm.s32 @!p0 $0x1082;
	s9 =	sld [smem:$0x3FB7]  }
0x2f: {  	lr =	sadd.s32 s0, s3;
	s0 =	sld [smem:$0x3FAE]  }
0x30: {  	s3 =	sld [smem:$0x3FB1]  }
0x31: {  	[smem:$0x3FBA] =	sst s10  }
0x32: {  	s10 =	sld [smem:$0x3FB8];
	_ =	sdelay $0x3  }
0x33: {  	p0 =	seq.s32 s10, $0x1;
	s10 =	sld [smem:$0x3FBA];
	_ =	sdelay $0x3  }
0x34: {  	[smem:$0x3FBA] =	sst s10  }
0x35: {  	s10 =	sld [smem:$0x3FB9];
	_ =	sdelay $0x3  }
0x36: {  	p1 =	seq.s32 s10, $0x1;
	s10 =	sld [smem:$0x3FBA];
	_ =	sdelay $0x3  }
0x37: {  	[smem:$0x3FBA] =	sst s10  }
0x38: {  	s10 =	sld [smem:$0x3FBB]  }
0x39: {  	_ = 	snop;
	(pc) =	sbr.ind lr, $3  }
0x3a: {  	_ = 	snop  }
0x3b: {  	_ = 	snop  }
0x3c: {  	p2 =	seq.s32 s10, $0x1;
	s10 =	sld [smem:$0x3FBA]  }
0x3d: {  	_ =	shalt  }
0x3e: {  	_ =	shalt  }
0x3f: {  	_ =	shalt  }
0x40: {  	_ =	shalt  }
0x41: {  	_ =	shalt  }
0x42: {  	_ =	shalt  }
0x43: {  	_ =	shalt  }
0x44: {  	_ =	shalt  }
0x45: {  	_ =	shalt  }
0x46: {  	_ =	shalt  }
0x47: {  	_ =	shalt  }
0x48: {  	_ =	shalt  }
0x49: {  	_ =	shalt  }
0x4a: {  	_ =	shalt  }
0x4b: {  	_ =	shalt  }
0x4c: {  	_ =	shalt  }
0x4d: {  	_ =	shalt  }
0x4e: {  	_ =	shalt  }
0x4f: {  	_ =	shalt  }
0x50: {  	_ =	shalt  }
0x51: {  	_ =	shalt  }
0x52: {  	_ =	shalt  }
0x53: {  	_ =	shalt  }
0x54: {  	_ =	shalt  }
0x55: {  	_ =	shalt  }
0x56: {  	_ =	shalt  }
0x57: {  	_ =	shalt  }
0x58: {  	_ =	shalt  }
0x59: {  	_ =	shalt  }
0x5a: {  	_ =	shalt  }
0x5b: {  	_ =	shalt  }
0x5c: {  	_ =	shalt  }
0x5d: {  	_ =	shalt  }
0x5e: {  	_ =	shalt  }
0x5f: {  	_ =	shalt  }
0x60: {  	_ =	shalt  }
0x61: {  	_ =	shalt  }
0x62: {  	_ =	shalt  }
0x63: {  	_ =	shalt  }
0x64: {  	_ =	shalt  }
0x65: {  	_ =	shalt  }
0x66: {  	_ =	shalt  }
0x67: {  	_ =	shalt  }
0x68: {  	_ =	shalt  }
0x69: {  	_ =	shalt  }
0x6a: {  	_ =	shalt  }
0x6b: {  	_ =	shalt  }
0x6c: {  	_ =	shalt  }
0x6d: {  	_ =	shalt  }
0x6e: {  	_ =	shalt  }
0x6f: {  	_ =	shalt  }
0x70: {  	_ =	shalt  }
0x71: {  	_ =	shalt  }
0x72: {  	_ =	shalt  }
0x73: {  	_ =	shalt  }
0x74: {  	_ =	shalt  }
0x75: {  	_ =	shalt  }
0x76: {  	_ =	shalt  }
0x77: {  	_ =	shalt  }
0x78: {  	_ =	shalt  }
0x79: {  	_ =	shalt  }
0x7a: {  	_ =	shalt  }
0x7b: {  	_ =	shalt  }
0x7c: {  	_ =	shalt  }
0x7d: {  	_ =	shalt  }
0x7e: {  	_ =	shalt  }
0x7f: {  	_ =	shalt  }
0x80: {  	_ =	shalt  }
0x81: {  	_ =	shalt  }
0x82: {  	_ =	shalt  }
0x83: {  	_ =	shalt  }
0x84: {  	_ =	shalt  }
0x85: {  	_ =	shalt  }
0x86: {  	_ =	shalt  }
0x87: {  	_ =	shalt  }
.Lfunc_end0:
.L_simem_size_0:
called_computation.1_lowered:
.L_overlay_start_0:
0x88: {  	s2 =	sld [smem:$0x3FD9]  }
0x89: {  	s3 =	sld [smem:$0x3FFE];
	_ =	sdelay $0x1  }
0x8a: {  	s1 =	srdreg.scid  }
0x8b: {  	s0 =	sand.u32 $0x1, s1  }
0x8c: {  	s16 =	sshll.u32 s0, $0xA;
	s2 =	sadd.s32 s3, s2  }
0x8d: {  	s2 =	sadd.s32 s2, s16  }
0x8e: {  	[smem:$0x3FC6] =	sst s2  }
0x8f: {  	_ = 	snop  }
0x90: {  	(tm) =	ssettm $0x1  }
0x91: {  	s17 =	sld [smem:$0x3FFB];
	_ =	sdelay $0x3  }
0x92: {  	_ =	strace s17  }
0x93: {  	s2 =	sld [smem:$0x3FFC];
	_ =	sdelay $0x3  }
0x94: {  	_ =	strace s2  }
0x95: {  	s2 =	sld [smem:$0x3FFD];
	_ =	sdelay $0x3  }
0x96: {  	_ =	strace s2  }
0x97: {  	_ =	strace $0x8FFFFFFF  }
0x98: {  	s18 =	sld [smem:$0x3FDB];
	_ =	sdelay $0x1  }
0x99: {  	s19 =	simm.s32 $_scs_section_size  }
0x9a: {  	s4 =	simm.s32 $_size__tile_overlayer_lowered;
	s5 =	simm.s32 $_tile_overlayer_lowered  }
0x9b: {  	s22 =	simm.s32 $0x1BFF;
	s21 =	sshll.u32 s5, $0x1;
	s2 =	sadd.s32 s19, s18  }
0x9c: {  	s6 =	simm.s32 $0x0;
	s20 =	sshll.u32 s4, $0x1;
	s4 =	sadd.s32 s21, s2  }
0x9d: {  	[timem:s6], [sflag:s22] =	dma.local [hbm:s4], s20  }
0x9e: {  	_ =	swait.ge [sflag:s22], s20  }
0x9f: {  	s3 =	ssub.s32 $0x0, s20;
	[sflag:s22] =	ssyncset.done $0x0  }
0xa0: {  	[sflag:s22] =	ssyncadd.s32 s3;
	_ =	sdelay $0x1  }
0xa1: {  	s23 =	simm.s32 $0x1B8B  }
0xa2: {  	_ =	swait.ge [sflag:s23], $0x1  }
0xa3: {  	[sflag:s23] =	ssyncset.done $0x0  }
0xa4: {  	s25 =	simm.s32 $0x1B8E;
	s24 =	sld [smem:$0x3FFE];
	[sflag:s23] =	ssyncadd.s32 $0xFFFFFFFF  }
0xa5: {  	s26 =	simm.s32 $execute0_lowered;
	[smem:$0x3FD2] =	sst s25  }
0xa6: {  	s4 =	sshll.u32 s26, $0x1;
	_ =	strace $0x80000046;
	[dreg:$0x1] =	wrdreg $0xFFFFFFFF  }
0xa7: {  	s28 =	simm.s32 $_size_execute0_lowered;
	s2 =	sadd.s32 s2, s4;
	[dreg:$0x0] =	wrdreg $0x0  }
0xa8: {  	s4 =	sshll.u32 s28, $0x1;
	[dreg:$0x2] =	wrdreg s2  }
0xa9: {  	[dreg:$0x3] =	wrdreg s4  }
0xaa: {  	[dreg:$0x4] =	wrdreg $0xC0  }
0xab: {  	_ =	task [dreg:s6], $0x5FFFF  }
0xac: {  	[dreg:$0x1] =	wrdreg $0xFFFFFFFF  }
0xad: {  	[dreg:$0x0] =	wrdreg $0x60  }
0xae: {  	[dreg:$0x2] =	wrdreg s24  }
0xaf: {  	[dreg:$0x3] =	wrdreg $0xA  }
0xb0: {  	_ =	task.clear_ibuf [dreg:s6], $0x4FFFF;
	_ =	strace $0x90000046  }
0xb1: {  	s29 =	simm.s32 $0xA;
	_ =	strace $0x80000048  }
0xb2: {  	_ =	swait.ge [sflag:s29], $0x1  }
0xb3: {  	[sflag:s29] =	ssyncadd.s32 $0xFFFFFFFF  }
0xb4: {  	_ =	strace $0x90000048  }
0xb5: {  	_ =	sfence  }
0xb6: {  	s30 =	sld [smem:$0x0];
	_ =	sdelay $0x2  }
0xb7: {  	s31 =	sshll.u32 s1, $0xD;
	s1 =	sshrl.u32 s1, $0x2  }
0xb8: {  	s3 =	sand.u32 $0x4000, s31;
	s1 =	sadd.s32 s1, s30  }
0xb9: {  	s0 =	sor.u32 s3, s0;
	s1 =	sshll.u32 s1, $0x11  }
0xba: {  	s0 =	sor.u32 s1, s0  }
0xbb: {  	s0 =	sadd.s32 $0x8F2B, s0  }
0xbc: {  	[sflag:s0] =	ssyncadd.remote.s32 $0x1  }
0xbd: {  	_ =	sfence.sel $0xFFFF  }
0xbe: {  	[dreg:$0x0] =	wrdreg $0xFFFFFFFF;
	(pc) =	sbr.abs _section_cstart, $3  }
0xbf: {  	[dreg:$0x1] =	wrdreg $0xFFFFFFFF  }
0xc0: {  	_ =	task.clear_ibuf [dreg:s6], $0x2FFFF;
	_ =	strace $0x9FFFFFFF  }
0xc1: {  	(tm) =	ssettm $0x7FFFFFFF  }
tec
execute0_lowered:
.L_overlay_start_1:
0x0: {  	(tag) =	ssettag $0x1  }
0x1: {  	v0 =	vlaneseq.u32;
	v2 =	vimm.f32 $0.0e+00  }
0x2: {  	v3 =	vimm.f32 $1.000000000e+00;
	v1 =	vmul.u32 $0x31, v0;
	v6 =	vadd.s32 $0x31, v0  }
0x3: {  	v7 =	vadd.s32 $0x62, v0;
	v8 =	vadd.s32 $0x93, v0;
	v9 =	vadd.s32 $0xC4, v0  }
0x4: {  	v10 =	vadd.s32 $0xF5, v0;
	v11 =	vadd.s32 $0x126, v0;
	v12 =	vadd.s32 $0x157, v0  }
0x5: {  	v13 =	vadd.s32 $0x188, v0;
	v14 =	vadd.s32 $0x1B9, v0;
	v15 =	vadd.s32 $0x1EA, v0  }
0x6: {  	v16 =	vadd.s32 $0x21B, v0;
	v17 =	vadd.s32 $0x24C, v0;
	v18 =	vadd.s32 $0x27D, v0  }
0x7: {  	v19 =	vadd.s32 $0x2AE, v0;
	v20 =	vadd.s32 $0x2DF, v0;
	v21 =	vor.u32 $0x10, v0  }
0x8: {  	s3 =	rddreg [dreg:$0x0];
	v22 =	vadd.s32 $0x41, v0;
	v23 =	vadd.s32 $0x72, v0;
	v24 =	vadd.s32 $0xA3, v0  }
0x9: {  	s0 =	rddreg [dreg:$0x1];
	v25 =	vadd.s32 $0xD4, v0;
	v26 =	vadd.s32 $0x105, v0;
	v27 =	vadd.s32 $0x136, v0  }
0xa: {  	s2 =	simm.s32 $0x0;
	s4 =	srdreg.scid;
	s1 =	stileid.u32;
	v28 =	vadd.s32 $0x167, v0;
	v29 =	vadd.s32 $0x198, v0;
	v30 =	vadd.s32 $0x1C9, v0  }
0xb: {  	s9 =	simm.s32 $0x2000;
	s10 =	simm.s32 $0x1;
	s11 =	simm.s32 $0x3000;
	v31 =	vadd.s32 $0x1FA, v0;
	v32 =	vadd.s32 $0x22B, v0;
	v33 =	vadd.s32 $0x25C, v0  }
0xc: {  	s12 =	simm.s32 $0x3380;
	s13 =	simm.s32 $0x2;
	s14 =	simm.s32 $0x0;
	v34 =	vadd.s32 $0x28D, v0;
	v35 =	vadd.s32 $0x2BE, v0;
	v36 =	vadd.s32 $0x2EF, v0  }
0xd: {  	[smem:$0x7FF] =	sst s2;
	s4 =	sand.u32 $0x1, s4;
	s5 =	sshll.u32 s1, $0x1;
	v37 =	vor.u32 $0x20, v0;
	v38 =	vadd.s32 $0x51, v0;
	v39 =	vadd.s32 $0x82, v0  }
0xe: {  	v40 =	vadd.s32 $0xB3, v0;
	v41 =	vadd.s32 $0xE4, v0;
	v42 =	vadd.s32 $0x115, v0;
	_ =	strace $0x80000047;
	s5 =	sor.u32 s4, s5;
	s4 =	ssub.s32 $0x2, s4  }
0xf: {  	v43 =	vadd.s32 $0x146, v0;
	v44 =	vadd.s32 $0x177, v0;
	v45 =	vadd.s32 $0x1A8, v0;
	s6 =	sshll.u32 s5, $0x9;
	s5 =	sshll.u32 s5, $0x4;
	s7 =	sshrl.u32 s4, $0x1  }
0x10: {  	v46 =	vadd.s32 $0x1D9, v0;
	v47 =	vadd.s32 $0x20A, v0;
	v48 =	vadd.s32 $0x23B, v0;
	s6 =	sadd.s32 s6, s3;
	s8 =	sadd.s32 s5, s3;
	s7 =	ssub.s32 s4, s7  }
0x11: {  	v49 =	vadd.s32 $0x26C, v0;
	v50 =	vadd.s32 $0x29D, v0;
	v51 =	vadd.s32 $0x2CE, v0;
	s3 =	sadd.s32 $0xC00, s6;
	s4 =	sadd.s32 $0x4C00, s6;
	s5 =	sadd.s32 $0x8C00, s6  }
0x12: {  	v52 =	vadd.s32 $0x2FF, v0;
	v4 =	vadd.s32 $0x10, v1;
	v5 =	vadd.s32 $0x20, v1;
	s6 =	sadd.s32 $0xCC00, s8;
	s7 =	smax.u32 s7, $0x1;
	s8 =	simm.s32 $0x1000  }
.LBB2_1:
0x13: {  	[tilespmem:s2], [sflag:$0x1] =	stream.linear.gather [hbm4b:s3+s2], $0x1000, $0x38;
	[tilespmem:$0x3400] =	vst v63  }
0x14: {  	_ = 	snop  }
0x15: {  	[tilespmem:s8], [sflag:$0x1] =	stream.linear.gather [hbm4b:s4+s2], $0x1000, $0x38;
	[tilespmem:$0x3400] =	vst v63  }
0x16: {  	_ = 	snop  }
0x17: {  	[tilespmem:s9], [sflag:$0x1] =	stream.linear.gather [hbm4b:s5+s2], $0x1000, $0x38;
	[tilespmem:$0x3400] =	vst v63  }
0x18: {  	[tilespmem:$0x3000] =	vst v2  }
0x19: {  	[tilespmem:$0x3010] =	vst v2  }
0x1a: {  	[tilespmem:$0x3020] =	vst v2  }
0x1b: {  	[tilespmem:$0x3030] =	vst v2  }
0x1c: {  	[tilespmem:$0x3040] =	vst v2  }
0x1d: {  	[tilespmem:$0x3050] =	vst v2  }
0x1e: {  	[tilespmem:$0x3060] =	vst v2  }
0x1f: {  	[tilespmem:$0x3070] =	vst v2  }
0x20: {  	[tilespmem:$0x3080] =	vst v2  }
0x21: {  	[tilespmem:$0x3090] =	vst v2  }
0x22: {  	[tilespmem:$0x30A0] =	vst v2  }
0x23: {  	[tilespmem:$0x30B0] =	vst v2  }
0x24: {  	[tilespmem:$0x30C0] =	vst v2  }
0x25: {  	[tilespmem:$0x30D0] =	vst v2  }
0x26: {  	[tilespmem:$0x30E0] =	vst v2  }
0x27: {  	[tilespmem:$0x30F0] =	vst v2  }
0x28: {  	[tilespmem:$0x3100] =	vst v2  }
0x29: {  	[tilespmem:$0x3110] =	vst v2  }
0x2a: {  	[tilespmem:$0x3120] =	vst v2  }
0x2b: {  	[tilespmem:$0x3130] =	vst v2  }
0x2c: {  	[tilespmem:$0x3140] =	vst v2  }
0x2d: {  	[tilespmem:$0x3150] =	vst v2  }
0x2e: {  	[tilespmem:$0x3160] =	vst v2  }
0x2f: {  	[tilespmem:$0x3170] =	vst v2  }
0x30: {  	[tilespmem:$0x3180] =	vst v2  }
0x31: {  	[tilespmem:$0x3190] =	vst v2  }
0x32: {  	[tilespmem:$0x31A0] =	vst v2  }
0x33: {  	[tilespmem:$0x31B0] =	vst v2  }
0x34: {  	[tilespmem:$0x31C0] =	vst v2  }
0x35: {  	[tilespmem:$0x31D0] =	vst v2  }
0x36: {  	[tilespmem:$0x31E0] =	vst v2  }
0x37: {  	[tilespmem:$0x31F0] =	vst v2  }
0x38: {  	[tilespmem:$0x3200] =	vst v2  }
0x39: {  	[tilespmem:$0x3210] =	vst v2  }
0x3a: {  	[tilespmem:$0x3220] =	vst v2  }
0x3b: {  	[tilespmem:$0x3230] =	vst v2  }
0x3c: {  	[tilespmem:$0x3240] =	vst v2  }
0x3d: {  	[tilespmem:$0x3250] =	vst v2  }
0x3e: {  	[tilespmem:$0x3260] =	vst v2  }
0x3f: {  	[tilespmem:$0x3270] =	vst v2  }
0x40: {  	[tilespmem:$0x3280] =	vst v2  }
0x41: {  	[tilespmem:$0x3290] =	vst v2  }
0x42: {  	[tilespmem:$0x32A0] =	vst v2  }
0x43: {  	[tilespmem:$0x32B0] =	vst v2  }
0x44: {  	[tilespmem:$0x32C0] =	vst v2  }
0x45: {  	[tilespmem:$0x32D0] =	vst v2  }
0x46: {  	[tilespmem:$0x32E0] =	vst v2  }
0x47: {  	[tilespmem:$0x32F0] =	vst v2  }
0x48: {  	[tilespmem:$0x3300] =	vst v2  }
0x49: {  	_ =	swait.ge [sflag:s10], $0x1000  }
0x4a: {  	[sflag:s10] =	ssyncset.done $0x0  }
0x4b: {  	[sflag:s10] =	ssyncadd.s32 $0xFFFFF000  }
0x4c: {  	_ =	swait.ge [sflag:s10], $0x1000  }
0x4d: {  	[sflag:s10] =	ssyncset.done $0x0  }
0x4e: {  	[sflag:s10] =	ssyncadd.s32 $0xFFFFF000  }
0x4f: {  	_ =	swait.ge [sflag:s10], $0x1000  }
0x50: {  	[sflag:s10] =	ssyncset.done $0x0  }
0x51: {  	s15 =	simm.s32 $0x0;
	[sflag:s10] =	ssyncadd.s32 $0xFFFFF000  }
.LBB2_2:
0x52: {  	s16 =	sshra.s32 s15, $0x2  }
0x53: {  	v53 =	vld [tilespmem:s16+$0x0];
	_ =	sdelay $0x4  }
0x54: {  	v54 =	vadd.s32 v1, v53  }
0x55: {  	v55 =	vld [tilespmem:s16+$0x1000];
	v56 =	vadd.s32 v4, v53  }
0x56: {  	v57 =	vld [tilespmem:s16+$0x2000];
	v53 =	vadd.s32 v5, v53;
	_ =	sdelay $0x2  }
0x57: {  	[tilespmem:v54+s11+$0x0] =	vst.idx.add.f32.msk $0xffff, v3  }
0x58: {  	[tilespmem:v56+s11+$0x0] =	vst.idx.add.f32.msk $0xffff, v55  }
0x59: {  	[tilespmem:v53+s11+$0x0] =	vst.idx.add.f32.msk $0xffff, v57  }
0x5a: {  	v53 =	vld [tilespmem:s16+$0x10];
	_ =	sdelay $0x4  }
0x5b: {  	v62 =	vadd.s32 v1, v53  }
0x5c: {  	v55 =	vld [tilespmem:s16+$0x1010];
	v63 =	vadd.s32 v4, v53  }
0x5d: {  	v57 =	vld [tilespmem:s16+$0x2010];
	v53 =	vadd.s32 v5, v53;
	_ =	sdelay $0x2  }
0x5e: {  	[tilespmem:v62+s11+$0x0] =	vst.idx.add.f32.msk $0xffff, v3  }
0x5f: {  	[tilespmem:v63+s11+$0x0] =	vst.idx.add.f32.msk $0xffff, v55  }
0x60: {  	[tilespmem:v53+s11+$0x0] =	vst.idx.add.f32.msk $0xffff, v57  }
0x61: {  	v53 =	vld [tilespmem:s16+$0x20];
	_ =	sdelay $0x4  }
0x62: {  	v60 =	vadd.s32 v1, v53  }
0x63: {  	v55 =	vld [tilespmem:s16+$0x1020];
	v61 =	vadd.s32 v4, v53  }
0x64: {  	v57 =	vld [tilespmem:s16+$0x2020];
	v53 =	vadd.s32 v5, v53;
	_ =	sdelay $0x2  }
0x65: {  	[tilespmem:v60+s11+$0x0] =	vst.idx.add.f32.msk $0xffff, v3  }
0x66: {  	[tilespmem:v61+s11+$0x0] =	vst.idx.add.f32.msk $0xffff, v55  }
0x67: {  	[tilespmem:v53+s11+$0x0] =	vst.idx.add.f32.msk $0xffff, v57  }
0x68: {  	v53 =	vld [tilespmem:s16+$0x30];
	_ =	sdelay $0x4  }
0x69: {  	v62 =	vadd.s32 v1, v53  }
0x6a: {  	v55 =	vld [tilespmem:s16+$0x1030];
	v63 =	vadd.s32 v4, v53  }
0x6b: {  	p0 =	sne.s32 s15, $0x3F00;
	v57 =	vld [tilespmem:s16+$0x2030];
	v53 =	vadd.s32 v5, v53  }
.Ltmp0:
0x6c: {  	_ = 	snop;
	(pc) =	sbr.rel @p0 .LBB2_2-.Ltmp0, $4  }
0x6d: {  	_ = 	snop  }
0x6e: {  	[tilespmem:v62+s11+$0x0] =	vst.idx.add.f32.msk $0xffff, v3  }
0x6f: {  	[tilespmem:v63+s11+$0x0] =	vst.idx.add.f32.msk $0xffff, v55  }
0x70: {  	s15 =	sadd.s32 $0x100, s15;
	[tilespmem:v53+s11+$0x0] =	vst.idx.add.f32.msk $0xffff, v57  }
0x71: {  	_ =	sdelay $0x3  }
0x72: {  	v53 =	vld.idx.msk [tilespmem:v0+s11+$0x0], $0xffff  }
0x73: {  	v54 =	vld.idx.msk [tilespmem:v6+s11+$0x0], $0xffff;
	_ =	sdelay $0x1  }
0x74: {  	v55 =	vld.idx.msk [tilespmem:v7+s11+$0x0], $0xffff;
	_ =	sdelay $0x1  }
0x75: {  	v56 =	vld.idx.msk [tilespmem:v8+s11+$0x0], $0xffff  }
0x76: {  	v53 =	vadd.f32 v54, v53  }
0x77: {  	v62 =	vld.idx.msk [tilespmem:v9+s11+$0x0], $0xffff  }
0x78: {  	v53 =	vadd.f32 v55, v53  }
0x79: {  	v63 =	vld.idx.msk [tilespmem:v10+s11+$0x0], $0xffff  }
0x7a: {  	v53 =	vadd.f32 v56, v53  }
0x7b: {  	v60 =	vld.idx.msk [tilespmem:v11+s11+$0x0], $0xffff  }
0x7c: {  	v53 =	vadd.f32 v62, v53  }
0x7d: {  	v61 =	vld.idx.msk [tilespmem:v12+s11+$0x0], $0xffff  }
0x7e: {  	v53 =	vadd.f32 v63, v53  }
0x7f: {  	v62 =	vld.idx.msk [tilespmem:v13+s11+$0x0], $0xffff  }
0x80: {  	v53 =	vadd.f32 v60, v53  }
0x81: {  	v63 =	vld.idx.msk [tilespmem:v14+s11+$0x0], $0xffff  }
0x82: {  	v53 =	vadd.f32 v61, v53  }
0x83: {  	v60 =	vld.idx.msk [tilespmem:v15+s11+$0x0], $0xffff  }
0x84: {  	v53 =	vadd.f32 v62, v53  }
0x85: {  	v61 =	vld.idx.msk [tilespmem:v16+s11+$0x0], $0xffff  }
0x86: {  	v53 =	vadd.f32 v63, v53  }
0x87: {  	v62 =	vld.idx.msk [tilespmem:v17+s11+$0x0], $0xffff  }
0x88: {  	v53 =	vadd.f32 v60, v53  }
0x89: {  	v63 =	vld.idx.msk [tilespmem:v18+s11+$0x0], $0xffff  }
0x8a: {  	v53 =	vadd.f32 v61, v53  }
0x8b: {  	v60 =	vld.idx.msk [tilespmem:v19+s11+$0x0], $0xffff  }
0x8c: {  	v53 =	vadd.f32 v62, v53  }
0x8d: {  	v61 =	vld.idx.msk [tilespmem:v20+s11+$0x0], $0xffff  }
0x8e: {  	v53 =	vadd.f32 v63, v53;
	_ =	sdelay $0x1  }
0x8f: {  	v53 =	vadd.f32 v60, v53;
	_ =	sdelay $0x1  }
0x90: {  	v53 =	vadd.f32 v61, v53;
	_ =	sdelay $0x1  }
0x91: {  	[tilespmem:$0x3380] =	vst v53  }
0x92: {  	v53 =	vld.idx.msk [tilespmem:v21+s11+$0x0], $0xffff  }
0x93: {  	v62 =	vld.idx.msk [tilespmem:v22+s11+$0x0], $0xffff;
	_ =	sdelay $0x1  }
0x94: {  	v63 =	vld.idx.msk [tilespmem:v23+s11+$0x0], $0xffff;
	_ =	sdelay $0x1  }
0x95: {  	v60 =	vld.idx.msk [tilespmem:v24+s11+$0x0], $0xffff  }
0x96: {  	v53 =	vadd.f32 v62, v53  }
0x97: {  	v61 =	vld.idx.msk [tilespmem:v25+s11+$0x0], $0xffff  }
0x98: {  	v53 =	vadd.f32 v63, v53  }
0x99: {  	v62 =	vld.idx.msk [tilespmem:v26+s11+$0x0], $0xffff  }
0x9a: {  	v53 =	vadd.f32 v60, v53  }
0x9b: {  	v63 =	vld.idx.msk [tilespmem:v27+s11+$0x0], $0xffff  }
0x9c: {  	v53 =	vadd.f32 v61, v53  }
0x9d: {  	v60 =	vld.idx.msk [tilespmem:v28+s11+$0x0], $0xffff  }
0x9e: {  	v53 =	vadd.f32 v62, v53  }
0x9f: {  	v61 =	vld.idx.msk [tilespmem:v29+s11+$0x0], $0xffff  }
0xa0: {  	v53 =	vadd.f32 v63, v53  }
0xa1: {  	v62 =	vld.idx.msk [tilespmem:v30+s11+$0x0], $0xffff  }
0xa2: {  	v53 =	vadd.f32 v60, v53  }
0xa3: {  	v63 =	vld.idx.msk [tilespmem:v31+s11+$0x0], $0xffff  }
0xa4: {  	v53 =	vadd.f32 v61, v53  }
0xa5: {  	v60 =	vld.idx.msk [tilespmem:v32+s11+$0x0], $0xffff  }
0xa6: {  	v53 =	vadd.f32 v62, v53  }
0xa7: {  	v61 =	vld.idx.msk [tilespmem:v33+s11+$0x0], $0xffff  }
0xa8: {  	v53 =	vadd.f32 v63, v53  }
0xa9: {  	v62 =	vld.idx.msk [tilespmem:v34+s11+$0x0], $0xffff  }
0xaa: {  	v53 =	vadd.f32 v60, v53  }
0xab: {  	v63 =	vld.idx.msk [tilespmem:v35+s11+$0x0], $0xffff  }
0xac: {  	v53 =	vadd.f32 v61, v53  }
0xad: {  	v60 =	vld.idx.msk [tilespmem:v36+s11+$0x0], $0xffff  }
0xae: {  	v53 =	vadd.f32 v62, v53;
	_ =	sdelay $0x1  }
0xaf: {  	v53 =	vadd.f32 v63, v53;
	_ =	sdelay $0x1  }
0xb0: {  	v53 =	vadd.f32 v60, v53;
	_ =	sdelay $0x1  }
0xb1: {  	[tilespmem:$0x3390] =	vst v53  }
0xb2: {  	v53 =	vld.idx.msk [tilespmem:v37+s11+$0x0], $0xffff  }
0xb3: {  	v61 =	vld.idx.msk [tilespmem:v38+s11+$0x0], $0xffff;
	_ =	sdelay $0x1  }
0xb4: {  	v62 =	vld.idx.msk [tilespmem:v39+s11+$0x0], $0xffff;
	_ =	sdelay $0x1  }
0xb5: {  	v63 =	vld.idx.msk [tilespmem:v40+s11+$0x0], $0xffff  }
0xb6: {  	v53 =	vadd.f32 v61, v53  }
0xb7: {  	v60 =	vld.idx.msk [tilespmem:v41+s11+$0x0], $0xffff  }
0xb8: {  	v53 =	vadd.f32 v62, v53  }
0xb9: {  	v61 =	vld.idx.msk [tilespmem:v42+s11+$0x0], $0xffff  }
0xba: {  	v53 =	vadd.f32 v63, v53  }
0xbb: {  	v62 =	vld.idx.msk [tilespmem:v43+s11+$0x0], $0xffff  }
0xbc: {  	v53 =	vadd.f32 v60, v53  }
0xbd: {  	v63 =	vld.idx.msk [tilespmem:v44+s11+$0x0], $0xffff  }
0xbe: {  	v53 =	vadd.f32 v61, v53  }
0xbf: {  	v60 =	vld.idx.msk [tilespmem:v45+s11+$0x0], $0xffff  }
0xc0: {  	v53 =	vadd.f32 v62, v53  }
0xc1: {  	v61 =	vld.idx.msk [tilespmem:v46+s11+$0x0], $0xffff  }
0xc2: {  	v53 =	vadd.f32 v63, v53  }
0xc3: {  	v62 =	vld.idx.msk [tilespmem:v47+s11+$0x0], $0xffff  }
0xc4: {  	v53 =	vadd.f32 v60, v53  }
0xc5: {  	v63 =	vld.idx.msk [tilespmem:v48+s11+$0x0], $0xffff  }
0xc6: {  	v53 =	vadd.f32 v61, v53  }
0xc7: {  	v60 =	vld.idx.msk [tilespmem:v49+s11+$0x0], $0xffff  }
0xc8: {  	v53 =	vadd.f32 v62, v53  }
0xc9: {  	v61 =	vld.idx.msk [tilespmem:v50+s11+$0x0], $0xffff  }
0xca: {  	v53 =	vadd.f32 v63, v53  }
0xcb: {  	v62 =	vld.idx.msk [tilespmem:v51+s11+$0x0], $0xffff  }
0xcc: {  	v53 =	vadd.f32 v60, v53  }
0xcd: {  	v63 =	vld.idx.msk [tilespmem:v52+s11+$0x0], $0xffff  }
0xce: {  	v53 =	vadd.f32 v61, v53;
	_ =	sdelay $0x1  }
0xcf: {  	v53 =	vadd.f32 v62, v53;
	_ =	sdelay $0x1  }
0xd0: {  	s14 =	sadd.s32 $0x1, s14;
	v53 =	vadd.f32 v63, v53  }
0xd1: {  	p0 =	sne.s32 s14, s7  }
.Ltmp1:
0xd2: {  	[tilespmem:$0x33A0] =	vst v53;
	(pc) =	sbr.rel @p0 .LBB2_1-.Ltmp1, $4  }
0xd3: {  	[hbm4b:s6+s2] =	stream.linear.scatter [tilespmem:s12], [sflag:$0x2], $0x80, $0x38;
	[tilespmem:$0x3400] =	vst v63  }
0xd4: {  	_ =	swait.ge [sflag:s13], $0x80  }
0xd5: {  	[sflag:s13] =	ssyncset.done $0x0  }
0xd6: {  	[sflag:s13] =	ssyncadd.s32 $0xFFFFFF80  }
0xd7: {  	_ =	sfence.sel $0x180000  }
0xd8: {  	[bflag:$0x0] =	sbarrier.arrive $0xFFFF  }
0xd9: {  	p0 =	sne.s32 s1, $0x0;
	_ =	strace $0x90000047  }
0xda: {  	s0 =	sadd.s32 @!p0 $0x100000, s0;
	[bflag:$0x2] =	sbarrier.arrive $0xFFFF  }
0xdb: {  	[sflag:s0] =	ssyncadd.tile.s32 @!p0 $0x1;
	_ =	shalt  }
.Lfunc_end2:
_tile_overlayer_lowered:
.L_overlay_start_2:
0xdc: {  	(tag) =	ssettag $0x2  }
0xdd: {  	s0 =	rddreg [dreg:$0x0];
	s2 =	stileid.u32  }
0xde: {  	s1 =	rddreg [dreg:$0x1];
	p0 =	sne.s32 s2, $0x0  }
0xdf: {  	s3 =	rddreg [dreg:$0x2];
	[bflag:$0x3] =	sbarrier.arrive $0xFFFF;
	s2 =	simm.s32 @!p0 $0x1C02  }
0xe0: {  	[timem:s3], [sflag:s2] =	dma.local @!p0 [hbm:s0], s1  }
0xe1: {  	s0 =	simm.s32 @!p0 $0x2  }
0xe2: {  	_ =	swait.ge @!p0 [sflag:s0], s1  }
0xe3: {  	s1 =	ssub.s32 @!p0 $0x0, s1;
	[sflag:s0] =	ssyncset.done @!p0 $0x0  }
0xe4: {  	[sflag:s0] =	ssyncadd.s32 @!p0 s1  }
0xe5: {  	[bflag:$0x3] =	sbarrier.arrive $0xFFFF  }
0xe6: {  	_ =	shalt  }

</sc_bundles>
